<compile_context>
chip_gen: v7x
topology: tpu7x:2x2x1
jax: 0.10.2.dev20260603
libtpu: 0.0.44.dev20260713+nightly
codegen_flags: <defaults>
</compile_context>

<pallas_src>
import functools

import jax
import jax.numpy as jnp
from jax import lax
from jax.experimental import pallas as pl
from jax.experimental.pallas import tpu as pltpu
from jax.experimental.pallas import tpu_sc as plsc

D = 768
B = 4
S = 2048
TOKENS = B * S
EPS = 1e-5

SH = S // 2
TOK_H = B * SH

NC, NS = 2, 16
NW = NC * NS
PER_W = TOK_H // NW
W_PER_B = SH // PER_W
CH = 64
NCH = PER_W // CH
NBUF = 2


@functools.lru_cache(maxsize=1)
def _make_gather_rows():
    mesh = plsc.VectorSubcoreMesh(
        core_axis_name="c", subcore_axis_name="s", num_cores=NC, num_subcores=NS
    )

    @functools.partial(
        pl.kernel,
        mesh=mesh,
        out_type=jax.ShapeDtypeStruct((TOK_H, D), jnp.float32),
        scratch_types=[
            pltpu.VMEM((NCH, CH), jnp.int32),
            *[pltpu.VMEM((CH, D), jnp.float32) for _ in range(NBUF)],
            *[pltpu.SemaphoreType.DMA for _ in range(2 * NBUF)],
        ],
    )
    def _gather_rows(ids_hbm, word_hbm, out_hbm, idx_v, *bufs_sems):
        bufs = bufs_sems[:NBUF]
        gsems = bufs_sems[NBUF : 2 * NBUF]
        ssems = bufs_sems[2 * NBUF :]
        wid = lax.axis_index("s") * NC + lax.axis_index("c")
        b = wid // W_PER_B
        s0 = (wid % W_PER_B) * PER_W
        base = wid * PER_W
        for i in range(NCH):
            pltpu.sync_copy(ids_hbm.at[b, pl.ds(s0 + i * CH, CH)], idx_v.at[i])

        def gather(i):
            return pltpu.async_copy(
                word_hbm.at[idx_v.at[i]], bufs[i % NBUF], gsems[i % NBUF]
            )

        def store(i):
            return pltpu.async_copy(
                bufs[i % NBUF], out_hbm.at[pl.ds(base + i * CH, CH)], ssems[i % NBUF]
            )

        gathers = [gather(i) for i in range(NCH)]
        stores = [None] * NCH
        for i in range(NCH):
            gathers[i].wait()
            stores[i] = store(i)
        for i in range(NCH):
            stores[i].wait()

    return _gather_rows


ROWS_BLK = 1024
SB_H = SH // ROWS_BLK


def _ln_body(g_ref, pos_ref, tt_ref, type_ref, gamma_ref, beta_ref, _prev_ref, o_ref):
    x = g_ref[...] + pos_ref[...]
    tt = tt_ref[0, :, 0:1].astype(jnp.float32)
    t0 = type_ref[0:1, :]
    t1 = type_ref[1:2, :]
    x = x + t0 + tt * (t1 - t0)
    mu = jnp.mean(x, axis=1, keepdims=True)
    xc = x - mu
    var = jnp.mean(xc * xc, axis=1, keepdims=True)
    y = xc * lax.rsqrt(var + EPS)
    o_ref[0] = y * gamma_ref[...] + beta_ref[...]


def _make_ln_call(half, alias):
    return pl.pallas_call(
        _ln_body,
        grid=(SB_H, B),
        in_specs=[
            pl.BlockSpec((ROWS_BLK, D), lambda sb, b: (b * SB_H + sb, 0)),
            pl.BlockSpec((ROWS_BLK, D), lambda sb, b: (half * SB_H + sb, 0)),
            pl.BlockSpec((1, ROWS_BLK, 1), lambda sb, b: (b, half * SB_H + sb, 0)),
            pl.BlockSpec((2, D), lambda sb, b: (0, 0)),
            pl.BlockSpec((1, D), lambda sb, b: (0, 0)),
            pl.BlockSpec((1, D), lambda sb, b: (0, 0)),
            pl.BlockSpec(memory_space=pl.ANY),
        ],
        out_specs=pl.BlockSpec(
            (1, ROWS_BLK, D), lambda sb, b: (b, half * SB_H + sb, 0)
        ),
        out_shape=jax.ShapeDtypeStruct((B, S, D), jnp.float32),
        input_output_aliases={6: 0} if alias else {},
    )


_ln_calls = (_make_ln_call(0, False), _make_ln_call(1, True))


def kernel(input_ids, token_type_ids, word_emb, pos_emb, type_emb, gamma, beta):
    ids = input_ids.astype(jnp.int32)
    tt = token_type_ids.astype(jnp.int32)[:, :, None]
    gamma2 = gamma.reshape(1, D)
    beta2 = beta.reshape(1, D)
    sc = _make_gather_rows()
    g0 = sc(ids[:, :SH], word_emb)
    g1 = sc(ids[:, SH:], word_emb)
    dummy = jnp.zeros((1,), jnp.float32)
    out = _ln_calls[0](g0, pos_emb, tt, type_emb, gamma2, beta2, dummy)
    out = _ln_calls[1](g1, pos_emb, tt, type_emb, gamma2, beta2, out)
    return out

# --- scband reference (transcript-rebuilt; emitter-appended) ---
"""Pipeline reference for scband-bert-embeddings-65231963292389 (READ-ONLY COPY).

The authoritative reference and input builder live on the scoring server;
editing this copy changes nothing except your own understanding.
"""

import jax, jax.numpy as jnp
import numpy as np

VOCAB = 30522
HIDDEN = 768
MAX_POS = 2048
TYPE_VOCAB = 2
B, S = 4, 2048
EPS = 1e-5


def setup_inputs(seed: int = 0) -> dict:
    key = jax.random.key(seed)
    k1, k2, k3, k4, k5 = jax.random.split(key, 5)
    input_ids = jax.random.randint(k1, (B, S), 0, VOCAB, dtype=jnp.int64 if jax.config.jax_enable_x64 else jnp.int32)
    token_type_ids = jax.random.randint(k2, (B, S), 0, TYPE_VOCAB, dtype=input_ids.dtype)
    word_emb = jax.random.normal(k3, (VOCAB, HIDDEN), dtype=jnp.float32) * 0.02
    pos_emb = jax.random.normal(k4, (MAX_POS, HIDDEN), dtype=jnp.float32) * 0.02
    type_emb = jax.random.normal(k5, (TYPE_VOCAB, HIDDEN), dtype=jnp.float32) * 0.02
    gamma = jnp.ones((HIDDEN,), dtype=jnp.float32)
    beta = jnp.zeros((HIDDEN,), dtype=jnp.float32)
    return {"input_ids": input_ids, "token_type_ids": token_type_ids,
            "word_emb": word_emb, "pos_emb": pos_emb, "type_emb": type_emb,
            "gamma": gamma, "beta": beta}


def _layer_norm(x, gamma, beta, eps=EPS):
    mu = jnp.mean(x, axis=-1, keepdims=True)
    var = jnp.mean(jnp.square(x - mu), axis=-1, keepdims=True)
    return (x - mu) / jnp.sqrt(var + eps) * gamma + beta


def reference(input_ids, token_type_ids, word_emb, pos_emb, type_emb, gamma, beta):
    seq_length = input_ids.shape[1]
    position_ids = jnp.arange(seq_length, dtype=input_ids.dtype)
    position_ids = jnp.broadcast_to(position_ids[None, :], input_ids.shape)
    words_embeddings = jnp.take(word_emb, input_ids, axis=0)
    position_embeddings = jnp.take(pos_emb, position_ids, axis=0)
    embeddings = words_embeddings + position_embeddings
    embeddings = embeddings + jnp.take(type_emb, token_type_ids, axis=0)
    # prenorm=False -> apply LayerNorm; dropout is identity in eval mode
    embeddings = _layer_norm(embeddings, gamma, beta)
    return embeddings

if __name__ == "__main__":
    import jax
    _d = setup_inputs()
    print(jax.jit(kernel)(*tuple(_d.values())))

</pallas_src>

<mosaic_0001>
#map = affine_map<(d0, d1) -> (0, 0)>
module attributes {stable_mosaic.version = 14 : i64} {
  func.func @_gather_rows(%arg0: i32, %arg1: i32, %arg2: memref<4x1024xi32, #tpu.memory_space<hbm>>, %arg3: memref<30522x768xf32, #tpu.memory_space<hbm>>, %arg4: memref<4096x768xf32, #tpu.memory_space<hbm>>, %arg5: memref<2x64xi32, #tpu.memory_space<vmem>>, %arg6: memref<64x768xf32, #tpu.memory_space<vmem>>, %arg7: memref<64x768xf32, #tpu.memory_space<vmem>>, %arg8: memref<!tpu.dma_semaphore, #tpu.memory_space<semaphore_mem>>, %arg9: memref<!tpu.dma_semaphore, #tpu.memory_space<semaphore_mem>>, %arg10: memref<!tpu.dma_semaphore, #tpu.memory_space<semaphore_mem>>, %arg11: memref<!tpu.dma_semaphore, #tpu.memory_space<semaphore_mem>>) attributes {dimension_semantics = [#tpu.dimension_semantics<core_parallel>, #tpu.dimension_semantics<subcore_parallel>], iteration_bounds = array<i64: 2, 16>, scalar_prefetch = 0 : i64, scratch_operands = 7 : i64, tpu.core_type = #tpu.core_type<sc_vector_subcore>, window_params = [{transform_indices = #map}, {transform_indices = #map}, {transform_indices = #map}]} {
    %mul3A = arith.constant 2 : i32
    %mul3A_0 = arith.muli %arg1, %mul3A : i32
    %add3A = arith.addi %mul3A_0, %arg0 : i32
    %jit3A = arith.constant 8 : i32
    %div3A = arith.divsi %add3A, %jit3A : i32
    %sign3A = arith.constant 0 : i32
    %sign3A_1 = arith.cmpi sgt, %add3A, %sign3A : i32
    %sign3A_2 = arith.extui %sign3A_1 : i1 to i32
    %sign3A_3 = arith.constant 0 : i32
    %sign3A_4 = arith.cmpi slt, %add3A, %sign3A_3 : i32
    %sign3A_5 = arith.extui %sign3A_4 : i1 to i32
    %sign3A_6 = arith.subi %sign3A_2, %sign3A_5 : i32
    %sign3A_7 = arith.constant 0 : i32
    %sign3A_8 = arith.cmpi sgt, %jit3A, %sign3A_7 : i32
    %sign3A_9 = arith.extui %sign3A_8 : i1 to i32
    %sign3A_10 = arith.constant 0 : i32
    %sign3A_11 = arith.cmpi slt, %jit3A, %sign3A_10 : i32
    %sign3A_12 = arith.extui %sign3A_11 : i1 to i32
    %sign3A_13 = arith.subi %sign3A_9, %sign3A_12 : i32
    %ne3A = arith.cmpi ne, %sign3A_6, %sign3A_13 : i32
    %rem3A = arith.remsi %add3A, %jit3A : i32
    %ne3A_14 = arith.constant 0 : i32
    %ne3A_15 = arith.cmpi ne, %rem3A, %ne3A_14 : i32
    %and3A = arith.andi %ne3A, %ne3A_15 : i1
    %sub3A = arith.constant 1 : i32
    %sub3A_16 = arith.subi %div3A, %sub3A : i32
    %select_n3A = arith.select %and3A, %sub3A_16, %div3A : i32
    %jit3A_17 = arith.constant 8 : i32
    %eq3A = arith.constant 0 : i32
    %eq3A_18 = arith.cmpi eq, %jit3A_17, %eq3A : i32
    %jit3A_19 = arith.constant 1 : i32
    %select_n3A_20 = arith.select %eq3A_18, %jit3A_19, %jit3A_17 : i32
    %rem3A_21 = arith.remsi %add3A, %select_n3A_20 : i32
    %ne3A_22 = arith.constant 0 : i32
    %ne3A_23 = arith.cmpi ne, %rem3A_21, %ne3A_22 : i32
    %lt3A = arith.constant 0 : i32
    %lt3A_24 = arith.cmpi slt, %rem3A_21, %lt3A : i32
    %lt3A_25 = arith.constant 0 : i32
    %lt3A_26 = arith.cmpi slt, %select_n3A_20, %lt3A_25 : i32
    %ne3A_27 = arith.xori %lt3A_24, %lt3A_26 : i1
    %and3A_28 = arith.andi %ne3A_27, %ne3A_23 : i1
    %add3A_29 = arith.addi %rem3A_21, %select_n3A_20 : i32
    %select_n3A_30 = arith.select %and3A_28, %add3A_29, %rem3A_21 : i32
    %mul3A_31 = arith.constant 128 : i32
    %mul3A_32 = arith.muli %select_n3A_30, %mul3A_31 : i32
    %mul3A_33 = arith.constant 128 : i32
    %mul3A_34 = arith.muli %add3A, %mul3A_33 : i32
    %add3A_35 = arith.constant 0 : i32
    %add3A_36 = arith.addi %mul3A_32, %add3A_35 : i32
    %run_scoped3A = arith.constant 0 : i32
    "tpu.region"() ({
      %run_scoped3A_86 = tpu.sem_alloc : memref<!tpu.dma_semaphore, #tpu.memory_space<semaphore_mem>>
      %dma_start3A_87 = arith.constant 0 : i32
      %dma_start3A_88 = tpu.memref_slice %arg5[%run_scoped3A, %dma_start3A_87] : memref<2x64xi32, #tpu.memory_space<vmem>> -> memref<1x64xi32, #tpu.memory_space<vmem>>
      %dma_start3A_89 = tpu.memref_squeeze %dma_start3A_88 : memref<1x64xi32, #tpu.memory_space<vmem>> -> memref<64xi32, #tpu.memory_space<vmem>>
      %dma_start3A_90 = tpu.memref_slice %arg2[%select_n3A, %add3A_36] : memref<4x1024xi32, #tpu.memory_space<hbm>> -> memref<1x64xi32, #tpu.memory_space<hbm>>
      %dma_start3A_91 = tpu.memref_squeeze %dma_start3A_90 : memref<1x64xi32, #tpu.memory_space<hbm>> -> memref<64xi32, #tpu.memory_space<hbm>>
      %dma_start3A_92 = arith.constant 0 : i32
      %dma_start3A_93 = tpu.memref_slice %arg5[%run_scoped3A, %dma_start3A_92] : memref<2x64xi32, #tpu.memory_space<vmem>> -> memref<1x64xi32, #tpu.memory_space<vmem>>
      %dma_start3A_94 = tpu.memref_squeeze %dma_start3A_93 : memref<1x64xi32, #tpu.memory_space<vmem>> -> memref<64xi32, #tpu.memory_space<vmem>>
      %dma_start3A_95 = tpu.memref_slice %arg2[%select_n3A, %add3A_36] : memref<4x1024xi32, #tpu.memory_space<hbm>> -> memref<1x64xi32, #tpu.memory_space<hbm>>
      %dma_start3A_96 = tpu.memref_squeeze %dma_start3A_95 : memref<1x64xi32, #tpu.memory_space<hbm>> -> memref<64xi32, #tpu.memory_space<hbm>>
      tpu.enqueue_dma source(%dma_start3A_96 : memref<64xi32, #tpu.memory_space<hbm>>) target(%dma_start3A_94 : memref<64xi32, #tpu.memory_space<vmem>>) target_semaphore(%run_scoped3A_86 : memref<!tpu.dma_semaphore, #tpu.memory_space<semaphore_mem>>)
      %dma_wait3A_97 = arith.constant 0 : i32
      %dma_wait3A_98 = tpu.memref_slice %arg5[%run_scoped3A, %dma_wait3A_97] : memref<2x64xi32, #tpu.memory_space<vmem>> -> memref<1x64xi32, #tpu.memory_space<vmem>>
      %dma_wait3A_99 = tpu.memref_squeeze %dma_wait3A_98 : memref<1x64xi32, #tpu.memory_space<vmem>> -> memref<64xi32, #tpu.memory_space<vmem>>
      %dma_wait3A_100 = tpu.memref_slice %arg2[%select_n3A, %add3A_36] : memref<4x1024xi32, #tpu.memory_space<hbm>> -> memref<1x64xi32, #tpu.memory_space<hbm>>
      %dma_wait3A_101 = tpu.memref_squeeze %dma_wait3A_100 : memref<1x64xi32, #tpu.memory_space<hbm>> -> memref<64xi32, #tpu.memory_space<hbm>>
      %dma_wait3A_102 = arith.constant 0 : i32
      %dma_wait3A_103 = tpu.memref_slice %arg5[%run_scoped3A, %dma_wait3A_102] : memref<2x64xi32, #tpu.memory_space<vmem>> -> memref<1x64xi32, #tpu.memory_space<vmem>>
      %dma_wait3A_104 = tpu.memref_squeeze %dma_wait3A_103 : memref<1x64xi32, #tpu.memory_space<vmem>> -> memref<64xi32, #tpu.memory_space<vmem>>
      %dma_wait3A_105 = tpu.memref_slice %arg2[%select_n3A, %add3A_36] : memref<4x1024xi32, #tpu.memory_space<hbm>> -> memref<1x64xi32, #tpu.memory_space<hbm>>
      %dma_wait3A_106 = tpu.memref_squeeze %dma_wait3A_105 : memref<1x64xi32, #tpu.memory_space<hbm>> -> memref<64xi32, #tpu.memory_space<hbm>>
      tpu.wait_dma2 semaphore(%run_scoped3A_86 : memref<!tpu.dma_semaphore, #tpu.memory_space<semaphore_mem>>) src(%dma_wait3A_106 : memref<64xi32, #tpu.memory_space<hbm>>) dst(%dma_wait3A_104 : memref<64xi32, #tpu.memory_space<vmem>>)
      tpu.yield
    }) : () -> ()
    %add3A_37 = arith.constant 64 : i32
    %add3A_38 = arith.addi %mul3A_32, %add3A_37 : i32
    %run_scoped3A_39 = arith.constant 1 : i32
    "tpu.region"() ({
      %run_scoped3A_86 = tpu.sem_alloc : memref<!tpu.dma_semaphore, #tpu.memory_space<semaphore_mem>>
      %dma_start3A_87 = arith.constant 0 : i32
      %dma_start3A_88 = tpu.memref_slice %arg5[%run_scoped3A_39, %dma_start3A_87] : memref<2x64xi32, #tpu.memory_space<vmem>> -> memref<1x64xi32, #tpu.memory_space<vmem>>
      %dma_start3A_89 = tpu.memref_squeeze %dma_start3A_88 : memref<1x64xi32, #tpu.memory_space<vmem>> -> memref<64xi32, #tpu.memory_space<vmem>>
      %dma_start3A_90 = tpu.memref_slice %arg2[%select_n3A, %add3A_38] : memref<4x1024xi32, #tpu.memory_space<hbm>> -> memref<1x64xi32, #tpu.memory_space<hbm>>
      %dma_start3A_91 = tpu.memref_squeeze %dma_start3A_90 : memref<1x64xi32, #tpu.memory_space<hbm>> -> memref<64xi32, #tpu.memory_space<hbm>>
      %dma_start3A_92 = arith.constant 0 : i32
      %dma_start3A_93 = tpu.memref_slice %arg5[%run_scoped3A_39, %dma_start3A_92] : memref<2x64xi32, #tpu.memory_space<vmem>> -> memref<1x64xi32, #tpu.memory_space<vmem>>
      %dma_start3A_94 = tpu.memref_squeeze %dma_start3A_93 : memref<1x64xi32, #tpu.memory_space<vmem>> -> memref<64xi32, #tpu.memory_space<vmem>>
      %dma_start3A_95 = tpu.memref_slice %arg2[%select_n3A, %add3A_38] : memref<4x1024xi32, #tpu.memory_space<hbm>> -> memref<1x64xi32, #tpu.memory_space<hbm>>
      %dma_start3A_96 = tpu.memref_squeeze %dma_start3A_95 : memref<1x64xi32, #tpu.memory_space<hbm>> -> memref<64xi32, #tpu.memory_space<hbm>>
      tpu.enqueue_dma source(%dma_start3A_96 : memref<64xi32, #tpu.memory_space<hbm>>) target(%dma_start3A_94 : memref<64xi32, #tpu.memory_space<vmem>>) target_semaphore(%run_scoped3A_86 : memref<!tpu.dma_semaphore, #tpu.memory_space<semaphore_mem>>)
      %dma_wait3A_97 = arith.constant 0 : i32
      %dma_wait3A_98 = tpu.memref_slice %arg5[%run_scoped3A_39, %dma_wait3A_97] : memref<2x64xi32, #tpu.memory_space<vmem>> -> memref<1x64xi32, #tpu.memory_space<vmem>>
      %dma_wait3A_99 = tpu.memref_squeeze %dma_wait3A_98 : memref<1x64xi32, #tpu.memory_space<vmem>> -> memref<64xi32, #tpu.memory_space<vmem>>
      %dma_wait3A_100 = tpu.memref_slice %arg2[%select_n3A, %add3A_38] : memref<4x1024xi32, #tpu.memory_space<hbm>> -> memref<1x64xi32, #tpu.memory_space<hbm>>
      %dma_wait3A_101 = tpu.memref_squeeze %dma_wait3A_100 : memref<1x64xi32, #tpu.memory_space<hbm>> -> memref<64xi32, #tpu.memory_space<hbm>>
      %dma_wait3A_102 = arith.constant 0 : i32
      %dma_wait3A_103 = tpu.memref_slice %arg5[%run_scoped3A_39, %dma_wait3A_102] : memref<2x64xi32, #tpu.memory_space<vmem>> -> memref<1x64xi32, #tpu.memory_space<vmem>>
      %dma_wait3A_104 = tpu.memref_squeeze %dma_wait3A_103 : memref<1x64xi32, #tpu.memory_space<vmem>> -> memref<64xi32, #tpu.memory_space<vmem>>
      %dma_wait3A_105 = tpu.memref_slice %arg2[%select_n3A, %add3A_38] : memref<4x1024xi32, #tpu.memory_space<hbm>> -> memref<1x64xi32, #tpu.memory_space<hbm>>
      %dma_wait3A_106 = tpu.memref_squeeze %dma_wait3A_105 : memref<1x64xi32, #tpu.memory_space<hbm>> -> memref<64xi32, #tpu.memory_space<hbm>>
      tpu.wait_dma2 semaphore(%run_scoped3A_86 : memref<!tpu.dma_semaphore, #tpu.memory_space<semaphore_mem>>) src(%dma_wait3A_106 : memref<64xi32, #tpu.memory_space<hbm>>) dst(%dma_wait3A_104 : memref<64xi32, #tpu.memory_space<vmem>>)
      tpu.yield
    }) : () -> ()
    %dma_start3A = arith.constant 0 : i32
    %dma_start3A_40 = arith.constant 0 : i32
    %dma_start3A_41 = tpu.memref_slice %arg5[%dma_start3A, %dma_start3A_40] : memref<2x64xi32, #tpu.memory_space<vmem>> -> memref<1x64xi32, #tpu.memory_space<vmem>>
    %dma_start3A_42 = tpu.memref_squeeze %dma_start3A_41 : memref<1x64xi32, #tpu.memory_space<vmem>> -> memref<64xi32, #tpu.memory_space<vmem>>
    %dma_start3A_43 = arith.constant 0 : i32
    %dma_start3A_44 = arith.constant 0 : i32
    %dma_start3A_45 = tpu.memref_slice %arg3[%dma_start3A_43, %dma_start3A_44] : memref<30522x768xf32, #tpu.memory_space<hbm>> -> memref<30522x768xf32, #tpu.memory_space<hbm>>
    tpu.enqueue_indirect_dma source(%dma_start3A_45 : memref<30522x768xf32, #tpu.memory_space<hbm>>) target(%arg6 : memref<64x768xf32, #tpu.memory_space<vmem>>) offsets(%dma_start3A_42 : memref<64xi32, #tpu.memory_space<vmem>>) semaphore(%arg8 : memref<!tpu.dma_semaphore, #tpu.memory_space<semaphore_mem>>)
    %dma_start3A_46 = arith.constant 1 : i32
    %dma_start3A_47 = arith.constant 0 : i32
    %dma_start3A_48 = tpu.memref_slice %arg5[%dma_start3A_46, %dma_start3A_47] : memref<2x64xi32, #tpu.memory_space<vmem>> -> memref<1x64xi32, #tpu.memory_space<vmem>>
    %dma_start3A_49 = tpu.memref_squeeze %dma_start3A_48 : memref<1x64xi32, #tpu.memory_space<vmem>> -> memref<64xi32, #tpu.memory_space<vmem>>
    %dma_start3A_50 = arith.constant 0 : i32
    %dma_start3A_51 = arith.constant 0 : i32
    %dma_start3A_52 = tpu.memref_slice %arg3[%dma_start3A_50, %dma_start3A_51] : memref<30522x768xf32, #tpu.memory_space<hbm>> -> memref<30522x768xf32, #tpu.memory_space<hbm>>
    tpu.enqueue_indirect_dma source(%dma_start3A_52 : memref<30522x768xf32, #tpu.memory_space<hbm>>) target(%arg7 : memref<64x768xf32, #tpu.memory_space<vmem>>) offsets(%dma_start3A_49 : memref<64xi32, #tpu.memory_space<vmem>>) semaphore(%arg9 : memref<!tpu.dma_semaphore, #tpu.memory_space<semaphore_mem>>)
    %dma_wait3A = arith.constant 0 : i32
    %dma_wait3A_53 = arith.constant 0 : i32
    %dma_wait3A_54 = tpu.memref_slice %arg5[%dma_wait3A, %dma_wait3A_53] : memref<2x64xi32, #tpu.memory_space<vmem>> -> memref<1x64xi32, #tpu.memory_space<vmem>>
    %dma_wait3A_55 = tpu.memref_squeeze %dma_wait3A_54 : memref<1x64xi32, #tpu.memory_space<vmem>> -> memref<64xi32, #tpu.memory_space<vmem>>
    %dma_wait3A_56 = arith.constant 0 : i32
    %dma_wait3A_57 = arith.constant 0 : i32
    %dma_wait3A_58 = tpu.memref_slice %arg3[%dma_wait3A_56, %dma_wait3A_57] : memref<30522x768xf32, #tpu.memory_space<hbm>> -> memref<30522x768xf32, #tpu.memory_space<hbm>>
    tpu.wait_indirect_dma semaphore(%arg8 : memref<!tpu.dma_semaphore, #tpu.memory_space<semaphore_mem>>) src(%dma_wait3A_58 : memref<30522x768xf32, #tpu.memory_space<hbm>>) dst(%arg6 : memref<64x768xf32, #tpu.memory_space<vmem>>)
    %add3A_59 = arith.constant 0 : i32
    %add3A_60 = arith.addi %mul3A_34, %add3A_59 : i32
    %dma_start3A_61 = arith.constant 0 : i32
    %dma_start3A_62 = tpu.memref_slice %arg4[%add3A_60, %dma_start3A_61] : memref<4096x768xf32, #tpu.memory_space<hbm>> -> memref<64x768xf32, #tpu.memory_space<hbm>>
    %dma_start3A_63 = arith.constant 0 : i32
    %dma_start3A_64 = tpu.memref_slice %arg4[%add3A_60, %dma_start3A_63] : memref<4096x768xf32, #tpu.memory_space<hbm>> -> memref<64x768xf32, #tpu.memory_space<hbm>>
    tpu.enqueue_dma source(%arg6 : memref<64x768xf32, #tpu.memory_space<vmem>>) target(%dma_start3A_64 : memref<64x768xf32, #tpu.memory_space<hbm>>) target_semaphore(%arg10 : memref<!tpu.dma_semaphore, #tpu.memory_space<semaphore_mem>>)
    %dma_wait3A_65 = arith.constant 1 : i32
    %dma_wait3A_66 = arith.constant 0 : i32
    %dma_wait3A_67 = tpu.memref_slice %arg5[%dma_wait3A_65, %dma_wait3A_66] : memref<2x64xi32, #tpu.memory_space<vmem>> -> memref<1x64xi32, #tpu.memory_space<vmem>>
    %dma_wait3A_68 = tpu.memref_squeeze %dma_wait3A_67 : memref<1x64xi32, #tpu.memory_space<vmem>> -> memref<64xi32, #tpu.memory_space<vmem>>
    %dma_wait3A_69 = arith.constant 0 : i32
    %dma_wait3A_70 = arith.constant 0 : i32
    %dma_wait3A_71 = tpu.memref_slice %arg3[%dma_wait3A_69, %dma_wait3A_70] : memref<30522x768xf32, #tpu.memory_space<hbm>> -> memref<30522x768xf32, #tpu.memory_space<hbm>>
    tpu.wait_indirect_dma semaphore(%arg9 : memref<!tpu.dma_semaphore, #tpu.memory_space<semaphore_mem>>) src(%dma_wait3A_71 : memref<30522x768xf32, #tpu.memory_space<hbm>>) dst(%arg7 : memref<64x768xf32, #tpu.memory_space<vmem>>)
    %add3A_72 = arith.constant 64 : i32
    %add3A_73 = arith.addi %mul3A_34, %add3A_72 : i32
    %dma_start3A_74 = arith.constant 0 : i32
    %dma_start3A_75 = tpu.memref_slice %arg4[%add3A_73, %dma_start3A_74] : memref<4096x768xf32, #tpu.memory_space<hbm>> -> memref<64x768xf32, #tpu.memory_space<hbm>>
    %dma_start3A_76 = arith.constant 0 : i32
    %dma_start3A_77 = tpu.memref_slice %arg4[%add3A_73, %dma_start3A_76] : memref<4096x768xf32, #tpu.memory_space<hbm>> -> memref<64x768xf32, #tpu.memory_space<hbm>>
    tpu.enqueue_dma source(%arg7 : memref<64x768xf32, #tpu.memory_space<vmem>>) target(%dma_start3A_77 : memref<64x768xf32, #tpu.memory_space<hbm>>) target_semaphore(%arg11 : memref<!tpu.dma_semaphore, #tpu.memory_space<semaphore_mem>>)
    %dma_wait3A_78 = arith.constant 0 : i32
    %dma_wait3A_79 = tpu.memref_slice %arg4[%add3A_60, %dma_wait3A_78] : memref<4096x768xf32, #tpu.memory_space<hbm>> -> memref<64x768xf32, #tpu.memory_space<hbm>>
    %dma_wait3A_80 = arith.constant 0 : i32
    %dma_wait3A_81 = tpu.memref_slice %arg4[%add3A_60, %dma_wait3A_80] : memref<4096x768xf32, #tpu.memory_space<hbm>> -> memref<64x768xf32, #tpu.memory_space<hbm>>
    tpu.wait_dma2 semaphore(%arg10 : memref<!tpu.dma_semaphore, #tpu.memory_space<semaphore_mem>>) src(%arg6 : memref<64x768xf32, #tpu.memory_space<vmem>>) dst(%dma_wait3A_81 : memref<64x768xf32, #tpu.memory_space<hbm>>)
    %dma_wait3A_82 = arith.constant 0 : i32
    %dma_wait3A_83 = tpu.memref_slice %arg4[%add3A_73, %dma_wait3A_82] : memref<4096x768xf32, #tpu.memory_space<hbm>> -> memref<64x768xf32, #tpu.memory_space<hbm>>
    %dma_wait3A_84 = arith.constant 0 : i32
    %dma_wait3A_85 = tpu.memref_slice %arg4[%add3A_73, %dma_wait3A_84] : memref<4096x768xf32, #tpu.memory_space<hbm>> -> memref<64x768xf32, #tpu.memory_space<hbm>>
    tpu.wait_dma2 semaphore(%arg11 : memref<!tpu.dma_semaphore, #tpu.memory_space<semaphore_mem>>) src(%arg7 : memref<64x768xf32, #tpu.memory_space<vmem>>) dst(%dma_wait3A_85 : memref<64x768xf32, #tpu.memory_space<hbm>>)
    return
  }
}

#map = affine_map<(d0, d1) -> (0, 0)>
module attributes {stable_mosaic.version = 14 : i64} {
  func.func @_gather_rows(%arg0: i32, %arg1: i32, %arg2: memref<4x1024xi32, #tpu.memory_space<hbm>>, %arg3: memref<30522x768xf32, #tpu.memory_space<hbm>>, %arg4: memref<4096x768xf32, #tpu.memory_space<hbm>>, %arg5: memref<2x64xi32, #tpu.memory_space<vmem>>, %arg6: memref<64x768xf32, #tpu.memory_space<vmem>>, %arg7: memref<64x768xf32, #tpu.memory_space<vmem>>, %arg8: memref<!tpu.dma_semaphore, #tpu.memory_space<semaphore_mem>>, %arg9: memref<!tpu.dma_semaphore, #tpu.memory_space<semaphore_mem>>, %arg10: memref<!tpu.dma_semaphore, #tpu.memory_space<semaphore_mem>>, %arg11: memref<!tpu.dma_semaphore, #tpu.memory_space<semaphore_mem>>) attributes {dimension_semantics = [#tpu.dimension_semantics<core_parallel>, #tpu.dimension_semantics<subcore_parallel>], iteration_bounds = array<i64: 2, 16>, scalar_prefetch = 0 : i64, scratch_operands = 7 : i64, tpu.core_type = #tpu.core_type<sc_vector_subcore>, window_params = [{transform_indices = #map}, {transform_indices = #map}, {transform_indices = #map}]} {
    %mul3A = arith.constant 2 : i32
    %mul3A_0 = arith.muli %arg1, %mul3A : i32
    %add3A = arith.addi %mul3A_0, %arg0 : i32
    %jit3A = arith.constant 8 : i32
    %div3A = arith.divsi %add3A, %jit3A : i32
    %sign3A = arith.constant 0 : i32
    %sign3A_1 = arith.cmpi sgt, %add3A, %sign3A : i32
    %sign3A_2 = arith.extui %sign3A_1 : i1 to i32
    %sign3A_3 = arith.constant 0 : i32
    %sign3A_4 = arith.cmpi slt, %add3A, %sign3A_3 : i32
    %sign3A_5 = arith.extui %sign3A_4 : i1 to i32
    %sign3A_6 = arith.subi %sign3A_2, %sign3A_5 : i32
    %sign3A_7 = arith.constant 0 : i32
    %sign3A_8 = arith.cmpi sgt, %jit3A, %sign3A_7 : i32
    %sign3A_9 = arith.extui %sign3A_8 : i1 to i32
    %sign3A_10 = arith.constant 0 : i32
    %sign3A_11 = arith.cmpi slt, %jit3A, %sign3A_10 : i32
    %sign3A_12 = arith.extui %sign3A_11 : i1 to i32
    %sign3A_13 = arith.subi %sign3A_9, %sign3A_12 : i32
    %ne3A = arith.cmpi ne, %sign3A_6, %sign3A_13 : i32
    %rem3A = arith.remsi %add3A, %jit3A : i32
    %ne3A_14 = arith.constant 0 : i32
    %ne3A_15 = arith.cmpi ne, %rem3A, %ne3A_14 : i32
    %and3A = arith.andi %ne3A, %ne3A_15 : i1
    %sub3A = arith.constant 1 : i32
    %sub3A_16 = arith.subi %div3A, %sub3A : i32
    %select_n3A = arith.select %and3A, %sub3A_16, %div3A : i32
    %jit3A_17 = arith.constant 8 : i32
    %eq3A = arith.constant 0 : i32
    %eq3A_18 = arith.cmpi eq, %jit3A_17, %eq3A : i32
    %jit3A_19 = arith.constant 1 : i32
    %select_n3A_20 = arith.select %eq3A_18, %jit3A_19, %jit3A_17 : i32
    %rem3A_21 = arith.remsi %add3A, %select_n3A_20 : i32
    %ne3A_22 = arith.constant 0 : i32
    %ne3A_23 = arith.cmpi ne, %rem3A_21, %ne3A_22 : i32
    %lt3A = arith.constant 0 : i32
    %lt3A_24 = arith.cmpi slt, %rem3A_21, %lt3A : i32
    %lt3A_25 = arith.constant 0 : i32
    %lt3A_26 = arith.cmpi slt, %select_n3A_20, %lt3A_25 : i32
    %ne3A_27 = arith.xori %lt3A_24, %lt3A_26 : i1
    %and3A_28 = arith.andi %ne3A_27, %ne3A_23 : i1
    %add3A_29 = arith.addi %rem3A_21, %select_n3A_20 : i32
    %select_n3A_30 = arith.select %and3A_28, %add3A_29, %rem3A_21 : i32
    %mul3A_31 = arith.constant 128 : i32
    %mul3A_32 = arith.muli %select_n3A_30, %mul3A_31 : i32
    %mul3A_33 = arith.constant 128 : i32
    %mul3A_34 = arith.muli %add3A, %mul3A_33 : i32
    %add3A_35 = arith.constant 0 : i32
    %add3A_36 = arith.addi %mul3A_32, %add3A_35 : i32
    %run_scoped3A = arith.constant 0 : i32
    "tpu.region"() ({
      %run_scoped3A_86 = tpu.sem_alloc : memref<!tpu.dma_semaphore, #tpu.memory_space<semaphore_mem>>
      %dma_start3A_87 = arith.constant 0 : i32
      %dma_start3A_88 = tpu.memref_slice %arg5[%run_scoped3A, %dma_start3A_87] : memref<2x64xi32, #tpu.memory_space<vmem>> -> memref<1x64xi32, #tpu.memory_space<vmem>>
      %dma_start3A_89 = tpu.memref_squeeze %dma_start3A_88 : memref<1x64xi32, #tpu.memory_space<vmem>> -> memref<64xi32, #tpu.memory_space<vmem>>
      %dma_start3A_90 = tpu.memref_slice %arg2[%select_n3A, %add3A_36] : memref<4x1024xi32, #tpu.memory_space<hbm>> -> memref<1x64xi32, #tpu.memory_space<hbm>>
      %dma_start3A_91 = tpu.memref_squeeze %dma_start3A_90 : memref<1x64xi32, #tpu.memory_space<hbm>> -> memref<64xi32, #tpu.memory_space<hbm>>
      %dma_start3A_92 = arith.constant 0 : i32
      %dma_start3A_93 = tpu.memref_slice %arg5[%run_scoped3A, %dma_start3A_92] : memref<2x64xi32, #tpu.memory_space<vmem>> -> memref<1x64xi32, #tpu.memory_space<vmem>>
      %dma_start3A_94 = tpu.memref_squeeze %dma_start3A_93 : memref<1x64xi32, #tpu.memory_space<vmem>> -> memref<64xi32, #tpu.memory_space<vmem>>
      %dma_start3A_95 = tpu.memref_slice %arg2[%select_n3A, %add3A_36] : memref<4x1024xi32, #tpu.memory_space<hbm>> -> memref<1x64xi32, #tpu.memory_space<hbm>>
      %dma_start3A_96 = tpu.memref_squeeze %dma_start3A_95 : memref<1x64xi32, #tpu.memory_space<hbm>> -> memref<64xi32, #tpu.memory_space<hbm>>
      tpu.enqueue_dma source(%dma_start3A_96 : memref<64xi32, #tpu.memory_space<hbm>>) target(%dma_start3A_94 : memref<64xi32, #tpu.memory_space<vmem>>) target_semaphore(%run_scoped3A_86 : memref<!tpu.dma_semaphore, #tpu.memory_space<semaphore_mem>>)
      %dma_wait3A_97 = arith.constant 0 : i32
      %dma_wait3A_98 = tpu.memref_slice %arg5[%run_scoped3A, %dma_wait3A_97] : memref<2x64xi32, #tpu.memory_space<vmem>> -> memref<1x64xi32, #tpu.memory_space<vmem>>
      %dma_wait3A_99 = tpu.memref_squeeze %dma_wait3A_98 : memref<1x64xi32, #tpu.memory_space<vmem>> -> memref<64xi32, #tpu.memory_space<vmem>>
      %dma_wait3A_100 = tpu.memref_slice %arg2[%select_n3A, %add3A_36] : memref<4x1024xi32, #tpu.memory_space<hbm>> -> memref<1x64xi32, #tpu.memory_space<hbm>>
      %dma_wait3A_101 = tpu.memref_squeeze %dma_wait3A_100 : memref<1x64xi32, #tpu.memory_space<hbm>> -> memref<64xi32, #tpu.memory_space<hbm>>
      %dma_wait3A_102 = arith.constant 0 : i32
      %dma_wait3A_103 = tpu.memref_slice %arg5[%run_scoped3A, %dma_wait3A_102] : memref<2x64xi32, #tpu.memory_space<vmem>> -> memref<1x64xi32, #tpu.memory_space<vmem>>
      %dma_wait3A_104 = tpu.memref_squeeze %dma_wait3A_103 : memref<1x64xi32, #tpu.memory_space<vmem>> -> memref<64xi32, #tpu.memory_space<vmem>>
      %dma_wait3A_105 = tpu.memref_slice %arg2[%select_n3A, %add3A_36] : memref<4x1024xi32, #tpu.memory_space<hbm>> -> memref<1x64xi32, #tpu.memory_space<hbm>>
      %dma_wait3A_106 = tpu.memref_squeeze %dma_wait3A_105 : memref<1x64xi32, #tpu.memory_space<hbm>> -> memref<64xi32, #tpu.memory_space<hbm>>
      tpu.wait_dma2 semaphore(%run_scoped3A_86 : memref<!tpu.dma_semaphore, #tpu.memory_space<semaphore_mem>>) src(%dma_wait3A_106 : memref<64xi32, #tpu.memory_space<hbm>>) dst(%dma_wait3A_104 : memref<64xi32, #tpu.memory_space<vmem>>)
      tpu.yield
    }) : () -> ()
    %add3A_37 = arith.constant 64 : i32
    %add3A_38 = arith.addi %mul3A_32, %add3A_37 : i32
    %run_scoped3A_39 = arith.constant 1 : i32
    "tpu.region"() ({
      %run_scoped3A_86 = tpu.sem_alloc : memref<!tpu.dma_semaphore, #tpu.memory_space<semaphore_mem>>
      %dma_start3A_87 = arith.constant 0 : i32
      %dma_start3A_88 = tpu.memref_slice %arg5[%run_scoped3A_39, %dma_start3A_87] : memref<2x64xi32, #tpu.memory_space<vmem>> -> memref<1x64xi32, #tpu.memory_space<vmem>>
      %dma_start3A_89 = tpu.memref_squeeze %dma_start3A_88 : memref<1x64xi32, #tpu.memory_space<vmem>> -> memref<64xi32, #tpu.memory_space<vmem>>
      %dma_start3A_90 = tpu.memref_slice %arg2[%select_n3A, %add3A_38] : memref<4x1024xi32, #tpu.memory_space<hbm>> -> memref<1x64xi32, #tpu.memory_space<hbm>>
      %dma_start3A_91 = tpu.memref_squeeze %dma_start3A_90 : memref<1x64xi32, #tpu.memory_space<hbm>> -> memref<64xi32, #tpu.memory_space<hbm>>
      %dma_start3A_92 = arith.constant 0 : i32
      %dma_start3A_93 = tpu.memref_slice %arg5[%run_scoped3A_39, %dma_start3A_92] : memref<2x64xi32, #tpu.memory_space<vmem>> -> memref<1x64xi32, #tpu.memory_space<vmem>>
      %dma_start3A_94 = tpu.memref_squeeze %dma_start3A_93 : memref<1x64xi32, #tpu.memory_space<vmem>> -> memref<64xi32, #tpu.memory_space<vmem>>
      %dma_start3A_95 = tpu.memref_slice %arg2[%select_n3A, %add3A_38] : memref<4x1024xi32, #tpu.memory_space<hbm>> -> memref<1x64xi32, #tpu.memory_space<hbm>>
      %dma_start3A_96 = tpu.memref_squeeze %dma_start3A_95 : memref<1x64xi32, #tpu.memory_space<hbm>> -> memref<64xi32, #tpu.memory_space<hbm>>
      tpu.enqueue_dma source(%dma_start3A_96 : memref<64xi32, #tpu.memory_space<hbm>>) target(%dma_start3A_94 : memref<64xi32, #tpu.memory_space<vmem>>) target_semaphore(%run_scoped3A_86 : memref<!tpu.dma_semaphore, #tpu.memory_space<semaphore_mem>>)
      %dma_wait3A_97 = arith.constant 0 : i32
      %dma_wait3A_98 = tpu.memref_slice %arg5[%run_scoped3A_39, %dma_wait3A_97] : memref<2x64xi32, #tpu.memory_space<vmem>> -> memref<1x64xi32, #tpu.memory_space<vmem>>
      %dma_wait3A_99 = tpu.memref_squeeze %dma_wait3A_98 : memref<1x64xi32, #tpu.memory_space<vmem>> -> memref<64xi32, #tpu.memory_space<vmem>>
      %dma_wait3A_100 = tpu.memref_slice %arg2[%select_n3A, %add3A_38] : memref<4x1024xi32, #tpu.memory_space<hbm>> -> memref<1x64xi32, #tpu.memory_space<hbm>>
      %dma_wait3A_101 = tpu.memref_squeeze %dma_wait3A_100 : memref<1x64xi32, #tpu.memory_space<hbm>> -> memref<64xi32, #tpu.memory_space<hbm>>
      %dma_wait3A_102 = arith.constant 0 : i32
      %dma_wait3A_103 = tpu.memref_slice %arg5[%run_scoped3A_39, %dma_wait3A_102] : memref<2x64xi32, #tpu.memory_space<vmem>> -> memref<1x64xi32, #tpu.memory_space<vmem>>
      %dma_wait3A_104 = tpu.memref_squeeze %dma_wait3A_103 : memref<1x64xi32, #tpu.memory_space<vmem>> -> memref<64xi32, #tpu.memory_space<vmem>>
      %dma_wait3A_105 = tpu.memref_slice %arg2[%select_n3A, %add3A_38] : memref<4x1024xi32, #tpu.memory_space<hbm>> -> memref<1x64xi32, #tpu.memory_space<hbm>>
      %dma_wait3A_106 = tpu.memref_squeeze %dma_wait3A_105 : memref<1x64xi32, #tpu.memory_space<hbm>> -> memref<64xi32, #tpu.memory_space<hbm>>
      tpu.wait_dma2 semaphore(%run_scoped3A_86 : memref<!tpu.dma_semaphore, #tpu.memory_space<semaphore_mem>>) src(%dma_wait3A_106 : memref<64xi32, #tpu.memory_space<hbm>>) dst(%dma_wait3A_104 : memref<64xi32, #tpu.memory_space<vmem>>)
      tpu.yield
    }) : () -> ()
    %dma_start3A = arith.constant 0 : i32
    %dma_start3A_40 = arith.constant 0 : i32
    %dma_start3A_41 = tpu.memref_slice %arg5[%dma_start3A, %dma_start3A_40] : memref<2x64xi32, #tpu.memory_space<vmem>> -> memref<1x64xi32, #tpu.memory_space<vmem>>
    %dma_start3A_42 = tpu.memref_squeeze %dma_start3A_41 : memref<1x64xi32, #tpu.memory_space<vmem>> -> memref<64xi32, #tpu.memory_space<vmem>>
    %dma_start3A_43 = arith.constant 0 : i32
    %dma_start3A_44 = arith.constant 0 : i32
    %dma_start3A_45 = tpu.memref_slice %arg3[%dma_start3A_43, %dma_start3A_44] : memref<30522x768xf32, #tpu.memory_space<hbm>> -> memref<30522x768xf32, #tpu.memory_space<hbm>>
    tpu.enqueue_indirect_dma source(%dma_start3A_45 : memref<30522x768xf32, #tpu.memory_space<hbm>>) target(%arg6 : memref<64x768xf32, #tpu.memory_space<vmem>>) offsets(%dma_start3A_42 : memref<64xi32, #tpu.memory_space<vmem>>) semaphore(%arg8 : memref<!tpu.dma_semaphore, #tpu.memory_space<semaphore_mem>>)
    %dma_start3A_46 = arith.constant 1 : i32
    %dma_start3A_47 = arith.constant 0 : i32
    %dma_start3A_48 = tpu.memref_slice %arg5[%dma_start3A_46, %dma_start3A_47] : memref<2x64xi32, #tpu.memory_space<vmem>> -> memref<1x64xi32, #tpu.memory_space<vmem>>
    %dma_start3A_49 = tpu.memref_squeeze %dma_start3A_48 : memref<1x64xi32, #tpu.memory_space<vmem>> -> memref<64xi32, #tpu.memory_space<vmem>>
    %dma_start3A_50 = arith.constant 0 : i32
    %dma_start3A_51 = arith.constant 0 : i32
    %dma_start3A_52 = tpu.memref_slice %arg3[%dma_start3A_50, %dma_start3A_51] : memref<30522x768xf32, #tpu.memory_space<hbm>> -> memref<30522x768xf32, #tpu.memory_space<hbm>>
    tpu.enqueue_indirect_dma source(%dma_start3A_52 : memref<30522x768xf32, #tpu.memory_space<hbm>>) target(%arg7 : memref<64x768xf32, #tpu.memory_space<vmem>>) offsets(%dma_start3A_49 : memref<64xi32, #tpu.memory_space<vmem>>) semaphore(%arg9 : memref<!tpu.dma_semaphore, #tpu.memory_space<semaphore_mem>>)
    %dma_wait3A = arith.constant 0 : i32
    %dma_wait3A_53 = arith.constant 0 : i32
    %dma_wait3A_54 = tpu.memref_slice %arg5[%dma_wait3A, %dma_wait3A_53] : memref<2x64xi32, #tpu.memory_space<vmem>> -> memref<1x64xi32, #tpu.memory_space<vmem>>
    %dma_wait3A_55 = tpu.memref_squeeze %dma_wait3A_54 : memref<1x64xi32, #tpu.memory_space<vmem>> -> memref<64xi32, #tpu.memory_space<vmem>>
    %dma_wait3A_56 = arith.constant 0 : i32
    %dma_wait3A_57 = arith.constant 0 : i32
    %dma_wait3A_58 = tpu.memref_slice %arg3[%dma_wait3A_56, %dma_wait3A_57] : memref<30522x768xf32, #tpu.memory_space<hbm>> -> memref<30522x768xf32, #tpu.memory_space<hbm>>
    tpu.wait_indirect_dma semaphore(%arg8 : memref<!tpu.dma_semaphore, #tpu.memory_space<semaphore_mem>>) src(%dma_wait3A_58 : memref<30522x768xf32, #tpu.memory_space<hbm>>) dst(%arg6 : memref<64x768xf32, #tpu.memory_space<vmem>>)
    %add3A_59 = arith.constant 0 : i32
    %add3A_60 = arith.addi %mul3A_34, %add3A_59 : i32
    %dma_start3A_61 = arith.constant 0 : i32
    %dma_start3A_62 = tpu.memref_slice %arg4[%add3A_60, %dma_start3A_61] : memref<4096x768xf32, #tpu.memory_space<hbm>> -> memref<64x768xf32, #tpu.memory_space<hbm>>
    %dma_start3A_63 = arith.constant 0 : i32
    %dma_start3A_64 = tpu.memref_slice %arg4[%add3A_60, %dma_start3A_63] : memref<4096x768xf32, #tpu.memory_space<hbm>> -> memref<64x768xf32, #tpu.memory_space<hbm>>
    tpu.enqueue_dma source(%arg6 : memref<64x768xf32, #tpu.memory_space<vmem>>) target(%dma_start3A_64 : memref<64x768xf32, #tpu.memory_space<hbm>>) target_semaphore(%arg10 : memref<!tpu.dma_semaphore, #tpu.memory_space<semaphore_mem>>)
    %dma_wait3A_65 = arith.constant 1 : i32
    %dma_wait3A_66 = arith.constant 0 : i32
    %dma_wait3A_67 = tpu.memref_slice %arg5[%dma_wait3A_65, %dma_wait3A_66] : memref<2x64xi32, #tpu.memory_space<vmem>> -> memref<1x64xi32, #tpu.memory_space<vmem>>
    %dma_wait3A_68 = tpu.memref_squeeze %dma_wait3A_67 : memref<1x64xi32, #tpu.memory_space<vmem>> -> memref<64xi32, #tpu.memory_space<vmem>>
    %dma_wait3A_69 = arith.constant 0 : i32
    %dma_wait3A_70 = arith.constant 0 : i32
    %dma_wait3A_71 = tpu.memref_slice %arg3[%dma_wait3A_69, %dma_wait3A_70] : memref<30522x768xf32, #tpu.memory_space<hbm>> -> memref<30522x768xf32, #tpu.memory_space<hbm>>
    tpu.wait_indirect_dma semaphore(%arg9 : memref<!tpu.dma_semaphore, #tpu.memory_space<semaphore_mem>>) src(%dma_wait3A_71 : memref<30522x768xf32, #tpu.memory_space<hbm>>) dst(%arg7 : memref<64x768xf32, #tpu.memory_space<vmem>>)
    %add3A_72 = arith.constant 64 : i32
    %add3A_73 = arith.addi %mul3A_34, %add3A_72 : i32
    %dma_start3A_74 = arith.constant 0 : i32
    %dma_start3A_75 = tpu.memref_slice %arg4[%add3A_73, %dma_start3A_74] : memref<4096x768xf32, #tpu.memory_space<hbm>> -> memref<64x768xf32, #tpu.memory_space<hbm>>
    %dma_start3A_76 = arith.constant 0 : i32
    %dma_start3A_77 = tpu.memref_slice %arg4[%add3A_73, %dma_start3A_76] : memref<4096x768xf32, #tpu.memory_space<hbm>> -> memref<64x768xf32, #tpu.memory_space<hbm>>
    tpu.enqueue_dma source(%arg7 : memref<64x768xf32, #tpu.memory_space<vmem>>) target(%dma_start3A_77 : memref<64x768xf32, #tpu.memory_space<hbm>>) target_semaphore(%arg11 : memref<!tpu.dma_semaphore, #tpu.memory_space<semaphore_mem>>)
    %dma_wait3A_78 = arith.constant 0 : i32
    %dma_wait3A_79 = tpu.memref_slice %arg4[%add3A_60, %dma_wait3A_78] : memref<4096x768xf32, #tpu.memory_space<hbm>> -> memref<64x768xf32, #tpu.memory_space<hbm>>
    %dma_wait3A_80 = arith.constant 0 : i32
    %dma_wait3A_81 = tpu.memref_slice %arg4[%add3A_60, %dma_wait3A_80] : memref<4096x768xf32, #tpu.memory_space<hbm>> -> memref<64x768xf32, #tpu.memory_space<hbm>>
    tpu.wait_dma2 semaphore(%arg10 : memref<!tpu.dma_semaphore, #tpu.memory_space<semaphore_mem>>) src(%arg6 : memref<64x768xf32, #tpu.memory_space<vmem>>) dst(%dma_wait3A_81 : memref<64x768xf32, #tpu.memory_space<hbm>>)
    %dma_wait3A_82 = arith.constant 0 : i32
    %dma_wait3A_83 = tpu.memref_slice %arg4[%add3A_73, %dma_wait3A_82] : memref<4096x768xf32, #tpu.memory_space<hbm>> -> memref<64x768xf32, #tpu.memory_space<hbm>>
    %dma_wait3A_84 = arith.constant 0 : i32
    %dma_wait3A_85 = tpu.memref_slice %arg4[%add3A_73, %dma_wait3A_84] : memref<4096x768xf32, #tpu.memory_space<hbm>> -> memref<64x768xf32, #tpu.memory_space<hbm>>
    tpu.wait_dma2 semaphore(%arg11 : memref<!tpu.dma_semaphore, #tpu.memory_space<semaphore_mem>>) src(%arg7 : memref<64x768xf32, #tpu.memory_space<vmem>>) dst(%dma_wait3A_85 : memref<64x768xf32, #tpu.memory_space<hbm>>)
    return
  }
}

module attributes {stable_mosaic.version = 14 : i64} {
  func.func @_ln_body(%arg0: i32, %arg1: i32, %arg2: memref<1024x768xf32, #tpu.memory_space<vmem>>, %arg3: memref<1024x768xf32, #tpu.memory_space<vmem>>, %arg4: memref<1x1024x1xi32, #tpu.memory_space<vmem>>, %arg5: memref<2x768xf32, #tpu.memory_space<vmem>>, %arg6: memref<1x768xf32, #tpu.memory_space<vmem>>, %arg7: memref<1x768xf32, #tpu.memory_space<vmem>>, %arg8: memref<4x2048x768xf32, #tpu.memory_space<any>>, %arg9: memref<1x1024x768xf32, #tpu.memory_space<vmem>>) attributes {dimension_semantics = [#tpu.dimension_semantics<arbitrary>, #tpu.dimension_semantics<arbitrary>], iteration_bounds = array<i64: 1, 4>, scalar_prefetch = 0 : i64, scratch_operands = 0 : i64, tpu.core_type = #tpu.core_type<tc>, window_params = [{transform_indices = @transform_0, window_bounds = array<i64: 1024, 768>}, {transform_indices = @transform_1, window_bounds = array<i64: 1024, 768>}, {transform_indices = @transform_2, window_bounds = array<i64: 1, 1024, 1>}, {pipeline_mode = #tpu.pipeline_mode<synchronous>, transform_indices = @transform_3, window_bounds = array<i64: 2, 768>}, {pipeline_mode = #tpu.pipeline_mode<synchronous>, transform_indices = @transform_4, window_bounds = array<i64: 1, 768>}, {pipeline_mode = #tpu.pipeline_mode<synchronous>, transform_indices = @transform_5, window_bounds = array<i64: 1, 768>}, {}, {transform_indices = @transform_7, window_bounds = array<i64: 1, 1024, 768>}]} {
    %get3A = arith.constant 0 : index
    %get3A_0 = arith.constant 0 : index
    %get3A_1 = vector.load %arg2[%get3A, %get3A_0] : memref<1024x768xf32, #tpu.memory_space<vmem>>, vector<1024x768xf32>
    %get3A_2 = arith.constant 0 : index
    %get3A_3 = arith.constant 0 : index
    %get3A_4 = vector.load %arg3[%get3A_2, %get3A_3] : memref<1024x768xf32, #tpu.memory_space<vmem>>, vector<1024x768xf32>
    %add3A = arith.addf %get3A_1, %get3A_4 : vector<1024x768xf32>
    %get3A_5 = arith.constant 0 : index
    %get3A_6 = arith.constant 0 : index
    %get3A_7 = arith.constant 0 : index
    %get3A_8 = vector.load %arg4[%get3A_5, %get3A_6, %get3A_7] : memref<1x1024x1xi32, #tpu.memory_space<vmem>>, vector<1x1024x1xi32>
    %get3A_9 = vector.shape_cast %get3A_8 : vector<1x1024x1xi32> to vector<1024x1xi32>
    %convert_element_type3A = arith.sitofp %get3A_9 : vector<1024x1xi32> to vector<1024x1xf32>
    %get3A_10 = arith.constant 0 : index
    %get3A_11 = arith.constant 0 : index
    %get3A_12 = vector.load %arg5[%get3A_10, %get3A_11] : memref<2x768xf32, #tpu.memory_space<vmem>>, vector<1x768xf32>
    %get3A_13 = arith.constant 1 : index
    %get3A_14 = arith.constant 0 : index
    %get3A_15 = vector.load %arg5[%get3A_13, %get3A_14] : memref<2x768xf32, #tpu.memory_space<vmem>>, vector<1x768xf32>
    %add3A_16 = vector.broadcast %get3A_12 : vector<1x768xf32> to vector<1024x768xf32>
    %add3A_17 = arith.addf %add3A, %add3A_16 : vector<1024x768xf32>
    %sub3A = arith.subf %get3A_15, %get3A_12 : vector<1x768xf32>
    %mul3A = vector.broadcast %convert_element_type3A : vector<1024x1xf32> to vector<1024x768xf32>
    %mul3A_18 = vector.broadcast %sub3A : vector<1x768xf32> to vector<1024x768xf32>
    %mul3A_19 = arith.mulf %mul3A, %mul3A_18 : vector<1024x768xf32>
    %add3A_20 = arith.addf %add3A_17, %mul3A_19 : vector<1024x768xf32>
    %reduce_sum3A = arith.constant dense<0.000000e+00> : vector<1024xf32>
    %reduce_sum3A_21 = vector.multi_reduction <add>, %add3A_20, %reduce_sum3A [1] : vector<1024x768xf32> to vector<1024xf32>
    %broadcast_in_dim3A = vector.shape_cast %reduce_sum3A_21 : vector<1024xf32> to vector<1024x1xf32>
    %div3A = arith.constant 7.680000e+02 : f32
    %div3A_22 = vector.broadcast %div3A : f32 to vector<1024x1xf32>
    %div3A_23 = arith.divf %broadcast_in_dim3A, %div3A_22 : vector<1024x1xf32>
    %sub3A_24 = vector.broadcast %div3A_23 : vector<1024x1xf32> to vector<1024x768xf32>
    %sub3A_25 = arith.subf %add3A_20, %sub3A_24 : vector<1024x768xf32>
    %mul3A_26 = arith.mulf %sub3A_25, %sub3A_25 : vector<1024x768xf32>
    %reduce_sum3A_27 = arith.constant dense<0.000000e+00> : vector<1024xf32>
    %reduce_sum3A_28 = vector.multi_reduction <add>, %mul3A_26, %reduce_sum3A_27 [1] : vector<1024x768xf32> to vector<1024xf32>
    %broadcast_in_dim3A_29 = vector.shape_cast %reduce_sum3A_28 : vector<1024xf32> to vector<1024x1xf32>
    %div3A_30 = arith.constant 7.680000e+02 : f32
    %div3A_31 = vector.broadcast %div3A_30 : f32 to vector<1024x1xf32>
    %div3A_32 = arith.divf %broadcast_in_dim3A_29, %div3A_31 : vector<1024x1xf32>
    %add3A_33 = arith.constant 9.99999974E-6 : f32
    %add3A_34 = vector.broadcast %add3A_33 : f32 to vector<1024x1xf32>
    %add3A_35 = arith.addf %div3A_32, %add3A_34 : vector<1024x1xf32>
    %rsqrt3A = math.rsqrt %add3A_35 : vector<1024x1xf32>
    %mul3A_36 = vector.broadcast %rsqrt3A : vector<1024x1xf32> to vector<1024x768xf32>
    %mul3A_37 = arith.mulf %sub3A_25, %mul3A_36 : vector<1024x768xf32>
    %get3A_38 = arith.constant 0 : index
    %get3A_39 = arith.constant 0 : index
    %get3A_40 = vector.load %arg6[%get3A_38, %get3A_39] : memref<1x768xf32, #tpu.memory_space<vmem>>, vector<1x768xf32>
    %mul3A_41 = vector.broadcast %get3A_40 : vector<1x768xf32> to vector<1024x768xf32>
    %mul3A_42 = arith.mulf %mul3A_37, %mul3A_41 : vector<1024x768xf32>
    %get3A_43 = arith.constant 0 : index
    %get3A_44 = arith.constant 0 : index
    %get3A_45 = vector.load %arg7[%get3A_43, %get3A_44] : memref<1x768xf32, #tpu.memory_space<vmem>>, vector<1x768xf32>
    %add3A_46 = vector.broadcast %get3A_45 : vector<1x768xf32> to vector<1024x768xf32>
    %add3A_47 = arith.addf %mul3A_42, %add3A_46 : vector<1024x768xf32>
    %swap3A = arith.constant 0 : index
    %swap3A_48 = arith.constant 0 : index
    %swap3A_49 = arith.constant 0 : index
    %swap3A_50 = vector.load %arg9[%swap3A, %swap3A_48, %swap3A_49] : memref<1x1024x768xf32, #tpu.memory_space<vmem>>, vector<1x1024x768xf32>
    %swap3A_51 = vector.shape_cast %swap3A_50 : vector<1x1024x768xf32> to vector<1024x768xf32>
    %swap3A_52 = vector.shape_cast %add3A_47 : vector<1024x768xf32> to vector<1x1024x768xf32>
    tpu.vector_store %arg9[%swap3A, %swap3A_48, %swap3A_49], %swap3A_52 {strides = array<i32>} : memref<1x1024x768xf32, #tpu.memory_space<vmem>>, vector<1x1024x768xf32>,
    return
  }
  func.func @transform_0(%arg0: i32, %arg1: i32) -> (i32, i32) {
    %mul3A = arith.constant 1 : i32
    %mul3A_0 = arith.muli %arg1, %mul3A : i32
    %add3A = arith.addi %mul3A_0, %arg0 : i32
    %c0_i32 = arith.constant 0 : i32
    %c0_i32_1 = arith.constant 0 : i32
    return %add3A, %c0_i32 : i32, i32
  }
  func.func @transform_1(%arg0: i32, %arg1: i32) -> (i32, i32) {
    %add3A = arith.constant 1 : i32
    %add3A_0 = arith.addi %add3A, %arg0 : i32
    %c0_i32 = arith.constant 0 : i32
    %c0_i32_1 = arith.constant 0 : i32
    return %add3A_0, %c0_i32 : i32, i32
  }
  func.func @transform_2(%arg0: i32, %arg1: i32) -> (i32, i32, i32) {
    %add3A = arith.constant 1 : i32
    %add3A_0 = arith.addi %add3A, %arg0 : i32
    %c0_i32 = arith.constant 0 : i32
    %c0_i32_1 = arith.constant 0 : i32
    return %arg1, %add3A_0, %c0_i32 : i32, i32, i32
  }
  func.func @transform_3(%arg0: i32, %arg1: i32) -> (i32, i32) {
    %c0_i32 = arith.constant 0 : i32
    %c0_i32_0 = arith.constant 0 : i32
    %c0_i32_1 = arith.constant 0 : i32
    return %c0_i32, %c0_i32_0 : i32, i32
  }
  func.func @transform_4(%arg0: i32, %arg1: i32) -> (i32, i32) {
    %c0_i32 = arith.constant 0 : i32
    %c0_i32_0 = arith.constant 0 : i32
    %c0_i32_1 = arith.constant 0 : i32
    return %c0_i32, %c0_i32_0 : i32, i32
  }
  func.func @transform_5(%arg0: i32, %arg1: i32) -> (i32, i32) {
    %c0_i32 = arith.constant 0 : i32
    %c0_i32_0 = arith.constant 0 : i32
    %c0_i32_1 = arith.constant 0 : i32
    return %c0_i32, %c0_i32_0 : i32, i32
  }
  func.func @transform_7(%arg0: i32, %arg1: i32) -> (i32, i32, i32) {
    %add3A = arith.constant 1 : i32
    %add3A_0 = arith.addi %add3A, %arg0 : i32
    %c0_i32 = arith.constant 0 : i32
    %c0_i32_1 = arith.constant 0 : i32
    return %arg1, %add3A_0, %c0_i32 : i32, i32, i32
  }
}

module attributes {stable_mosaic.version = 14 : i64} {
  func.func @_ln_body(%arg0: i32, %arg1: i32, %arg2: memref<1024x768xf32, #tpu.memory_space<vmem>>, %arg3: memref<1024x768xf32, #tpu.memory_space<vmem>>, %arg4: memref<1x1024x1xi32, #tpu.memory_space<vmem>>, %arg5: memref<2x768xf32, #tpu.memory_space<vmem>>, %arg6: memref<1x768xf32, #tpu.memory_space<vmem>>, %arg7: memref<1x768xf32, #tpu.memory_space<vmem>>, %arg8: memref<1xf32, #tpu.memory_space<any>>, %arg9: memref<1x1024x768xf32, #tpu.memory_space<vmem>>) attributes {dimension_semantics = [#tpu.dimension_semantics<arbitrary>, #tpu.dimension_semantics<arbitrary>], iteration_bounds = array<i64: 1, 4>, scalar_prefetch = 0 : i64, scratch_operands = 0 : i64, tpu.core_type = #tpu.core_type<tc>, window_params = [{transform_indices = @transform_0, window_bounds = array<i64: 1024, 768>}, {transform_indices = @transform_1, window_bounds = array<i64: 1024, 768>}, {transform_indices = @transform_2, window_bounds = array<i64: 1, 1024, 1>}, {pipeline_mode = #tpu.pipeline_mode<synchronous>, transform_indices = @transform_3, window_bounds = array<i64: 2, 768>}, {pipeline_mode = #tpu.pipeline_mode<synchronous>, transform_indices = @transform_4, window_bounds = array<i64: 1, 768>}, {pipeline_mode = #tpu.pipeline_mode<synchronous>, transform_indices = @transform_5, window_bounds = array<i64: 1, 768>}, {}, {transform_indices = @transform_7, window_bounds = array<i64: 1, 1024, 768>}]} {
    %get3A = arith.constant 0 : index
    %get3A_0 = arith.constant 0 : index
    %get3A_1 = vector.load %arg2[%get3A, %get3A_0] : memref<1024x768xf32, #tpu.memory_space<vmem>>, vector<1024x768xf32>
    %get3A_2 = arith.constant 0 : index
    %get3A_3 = arith.constant 0 : index
    %get3A_4 = vector.load %arg3[%get3A_2, %get3A_3] : memref<1024x768xf32, #tpu.memory_space<vmem>>, vector<1024x768xf32>
    %add3A = arith.addf %get3A_1, %get3A_4 : vector<1024x768xf32>
    %get3A_5 = arith.constant 0 : index
    %get3A_6 = arith.constant 0 : index
    %get3A_7 = arith.constant 0 : index
    %get3A_8 = vector.load %arg4[%get3A_5, %get3A_6, %get3A_7] : memref<1x1024x1xi32, #tpu.memory_space<vmem>>, vector<1x1024x1xi32>
    %get3A_9 = vector.shape_cast %get3A_8 : vector<1x1024x1xi32> to vector<1024x1xi32>
    %convert_element_type3A = arith.sitofp %get3A_9 : vector<1024x1xi32> to vector<1024x1xf32>
    %get3A_10 = arith.constant 0 : index
    %get3A_11 = arith.constant 0 : index
    %get3A_12 = vector.load %arg5[%get3A_10, %get3A_11] : memref<2x768xf32, #tpu.memory_space<vmem>>, vector<1x768xf32>
    %get3A_13 = arith.constant 1 : index
    %get3A_14 = arith.constant 0 : index
    %get3A_15 = vector.load %arg5[%get3A_13, %get3A_14] : memref<2x768xf32, #tpu.memory_space<vmem>>, vector<1x768xf32>
    %add3A_16 = vector.broadcast %get3A_12 : vector<1x768xf32> to vector<1024x768xf32>
    %add3A_17 = arith.addf %add3A, %add3A_16 : vector<1024x768xf32>
    %sub3A = arith.subf %get3A_15, %get3A_12 : vector<1x768xf32>
    %mul3A = vector.broadcast %convert_element_type3A : vector<1024x1xf32> to vector<1024x768xf32>
    %mul3A_18 = vector.broadcast %sub3A : vector<1x768xf32> to vector<1024x768xf32>
    %mul3A_19 = arith.mulf %mul3A, %mul3A_18 : vector<1024x768xf32>
    %add3A_20 = arith.addf %add3A_17, %mul3A_19 : vector<1024x768xf32>
    %reduce_sum3A = arith.constant dense<0.000000e+00> : vector<1024xf32>
    %reduce_sum3A_21 = vector.multi_reduction <add>, %add3A_20, %reduce_sum3A [1] : vector<1024x768xf32> to vector<1024xf32>
    %broadcast_in_dim3A = vector.shape_cast %reduce_sum3A_21 : vector<1024xf32> to vector<1024x1xf32>
    %div3A = arith.constant 7.680000e+02 : f32
    %div3A_22 = vector.broadcast %div3A : f32 to vector<1024x1xf32>
    %div3A_23 = arith.divf %broadcast_in_dim3A, %div3A_22 : vector<1024x1xf32>
    %sub3A_24 = vector.broadcast %div3A_23 : vector<1024x1xf32> to vector<1024x768xf32>
    %sub3A_25 = arith.subf %add3A_20, %sub3A_24 : vector<1024x768xf32>
    %mul3A_26 = arith.mulf %sub3A_25, %sub3A_25 : vector<1024x768xf32>
    %reduce_sum3A_27 = arith.constant dense<0.000000e+00> : vector<1024xf32>
    %reduce_sum3A_28 = vector.multi_reduction <add>, %mul3A_26, %reduce_sum3A_27 [1] : vector<1024x768xf32> to vector<1024xf32>
    %broadcast_in_dim3A_29 = vector.shape_cast %reduce_sum3A_28 : vector<1024xf32> to vector<1024x1xf32>
    %div3A_30 = arith.constant 7.680000e+02 : f32
    %div3A_31 = vector.broadcast %div3A_30 : f32 to vector<1024x1xf32>
    %div3A_32 = arith.divf %broadcast_in_dim3A_29, %div3A_31 : vector<1024x1xf32>
    %add3A_33 = arith.constant 9.99999974E-6 : f32
    %add3A_34 = vector.broadcast %add3A_33 : f32 to vector<1024x1xf32>
    %add3A_35 = arith.addf %div3A_32, %add3A_34 : vector<1024x1xf32>
    %rsqrt3A = math.rsqrt %add3A_35 : vector<1024x1xf32>
    %mul3A_36 = vector.broadcast %rsqrt3A : vector<1024x1xf32> to vector<1024x768xf32>
    %mul3A_37 = arith.mulf %sub3A_25, %mul3A_36 : vector<1024x768xf32>
    %get3A_38 = arith.constant 0 : index
    %get3A_39 = arith.constant 0 : index
    %get3A_40 = vector.load %arg6[%get3A_38, %get3A_39] : memref<1x768xf32, #tpu.memory_space<vmem>>, vector<1x768xf32>
    %mul3A_41 = vector.broadcast %get3A_40 : vector<1x768xf32> to vector<1024x768xf32>
    %mul3A_42 = arith.mulf %mul3A_37, %mul3A_41 : vector<1024x768xf32>
    %get3A_43 = arith.constant 0 : index
    %get3A_44 = arith.constant 0 : index
    %get3A_45 = vector.load %arg7[%get3A_43, %get3A_44] : memref<1x768xf32, #tpu.memory_space<vmem>>, vector<1x768xf32>
    %add3A_46 = vector.broadcast %get3A_45 : vector<1x768xf32> to vector<1024x768xf32>
    %add3A_47 = arith.addf %mul3A_42, %add3A_46 : vector<1024x768xf32>
    %swap3A = arith.constant 0 : index
    %swap3A_48 = arith.constant 0 : index
    %swap3A_49 = arith.constant 0 : index
    %swap3A_50 = vector.load %arg9[%swap3A, %swap3A_48, %swap3A_49] : memref<1x1024x768xf32, #tpu.memory_space<vmem>>, vector<1x1024x768xf32>
    %swap3A_51 = vector.shape_cast %swap3A_50 : vector<1x1024x768xf32> to vector<1024x768xf32>
    %swap3A_52 = vector.shape_cast %add3A_47 : vector<1024x768xf32> to vector<1x1024x768xf32>
    tpu.vector_store %arg9[%swap3A, %swap3A_48, %swap3A_49], %swap3A_52 {strides = array<i32>} : memref<1x1024x768xf32, #tpu.memory_space<vmem>>, vector<1x1024x768xf32>,
    return
  }
  func.func @transform_0(%arg0: i32, %arg1: i32) -> (i32, i32) {
    %mul3A = arith.constant 1 : i32
    %mul3A_0 = arith.muli %arg1, %mul3A : i32
    %add3A = arith.addi %mul3A_0, %arg0 : i32
    %c0_i32 = arith.constant 0 : i32
    %c0_i32_1 = arith.constant 0 : i32
    return %add3A, %c0_i32 : i32, i32
  }
  func.func @transform_1(%arg0: i32, %arg1: i32) -> (i32, i32) {
    %add3A = arith.constant 0 : i32
    %add3A_0 = arith.addi %add3A, %arg0 : i32
    %c0_i32 = arith.constant 0 : i32
    %c0_i32_1 = arith.constant 0 : i32
    return %add3A_0, %c0_i32 : i32, i32
  }
  func.func @transform_2(%arg0: i32, %arg1: i32) -> (i32, i32, i32) {
    %add3A = arith.constant 0 : i32
    %add3A_0 = arith.addi %add3A, %arg0 : i32
    %c0_i32 = arith.constant 0 : i32
    %c0_i32_1 = arith.constant 0 : i32
    return %arg1, %add3A_0, %c0_i32 : i32, i32, i32
  }
  func.func @transform_3(%arg0: i32, %arg1: i32) -> (i32, i32) {
    %c0_i32 = arith.constant 0 : i32
    %c0_i32_0 = arith.constant 0 : i32
    %c0_i32_1 = arith.constant 0 : i32
    return %c0_i32, %c0_i32_0 : i32, i32
  }
  func.func @transform_4(%arg0: i32, %arg1: i32) -> (i32, i32) {
    %c0_i32 = arith.constant 0 : i32
    %c0_i32_0 = arith.constant 0 : i32
    %c0_i32_1 = arith.constant 0 : i32
    return %c0_i32, %c0_i32_0 : i32, i32
  }
  func.func @transform_5(%arg0: i32, %arg1: i32) -> (i32, i32) {
    %c0_i32 = arith.constant 0 : i32
    %c0_i32_0 = arith.constant 0 : i32
    %c0_i32_1 = arith.constant 0 : i32
    return %c0_i32, %c0_i32_0 : i32, i32
  }
  func.func @transform_7(%arg0: i32, %arg1: i32) -> (i32, i32, i32) {
    %add3A = arith.constant 0 : i32
    %add3A_0 = arith.addi %add3A, %arg0 : i32
    %c0_i32 = arith.constant 0 : i32
    %c0_i32_1 = arith.constant 0 : i32
    return %arg1, %add3A_0, %c0_i32 : i32, i32, i32
  }
}

</mosaic_0001>

<sc_bundles>
// kernel: kernel.6.cloned.1.call-start
scs
__scs_entry_jumppad:
0x0: {  	(pc) =	sbr.rel $0x88, $3  }
0x1: {  	(tag) =	ssettag $0x0;
	lr =	simm.s32 $0x1  }
0x2: {  	[smem:$0x3F9A] =	sst lr;
	_ =	strace $0xD0000000  }
0x3: {  	_ = 	snop  }
0x4: {  	_ = 	snop  }
0x5: {  	_ = 	snop  }
0x6: {  	_ = 	snop  }
0x7: {  	_ = 	snop  }
__scs_overlays_trampoline_lowered:
0x8: {  	[smem:$0x3FA9] =	sst s0  }
0x9: {  	[smem:$0x3FAA] =	sst s1  }
0xa: {  	[smem:$0x3FAB] =	sst s2  }
0xb: {  	[smem:$0x3FAC] =	sst s3  }
0xc: {  	[smem:$0x3FAD] =	sst s4  }
0xd: {  	[smem:$0x3FAE] =	sst s5  }
0xe: {  	[smem:$0x3FAF] =	sst s6  }
0xf: {  	[smem:$0x3FB0] =	sst s7  }
0x10: {  	[smem:$0x3FB1] =	sst s8  }
0x11: {  	[smem:$0x3FB2] =	sst s9;
	s0 =	simm.s32 @!p0 $0x0  }
0x12: {  	s1 =	sld [smem:$0x3F98];
	s0 =	simm.s32 @p0 $0x1  }
0x13: {  	[smem:$0x3FB3] =	sst s0;
	s0 =	simm.s32 @!p1 $0x0  }
0x14: {  	s2 =	sld [smem:$0x3F97];
	s0 =	simm.s32 @p1 $0x1  }
0x15: {  	[smem:$0x3FB4] =	sst s0;
	s0 =	simm.s32 @!p2 $0x0  }
0x16: {  	s3 =	sld [smem:$0x3FDB];
	s0 =	simm.s32 @p2 $0x1  }
0x17: {  	s4 =	simm.s32 $0x1BF5;
	[smem:$0x3FB6] =	sst s0  }
0x18: {  	s0 =	sld [smem:$0x3F99];
	_ =	swait.ge [sflag:s4], $0x0  }
0x19: {  	s7 =	sld [smem:$0x3F9A]  }
0x1a: {  	s8 =	sadd.s32 $0xFFFFE003, lr  }
0x1b: {  	s9 =	sadd.s32 $0xFFFFFEF7, lr;
	s5 =	simm.s32 $0xFFFFFFFF;
	p2 =	slt.u32 s8, $0xFFFFF086  }
0x1c: {  	p1 =	slt.u32 s9, $0xF7A;
	s5 =	simm.s32 @!p2 $0x0  }
0x1d: {  	s5 =	simm.s32 @p1 $0x1;
	p0 =	seq.s32 s7, s2  }
0x1e: {  	s7 =	smul.u32 @!p0 $0xF7A, s2;
	p2 =	seq.s32 @!p0 s5, $0x0  }
0x1f: {  	s9 =	smul.u32 $0xF7A, s1;
	s8 =	simm.s32 @!p0 $0x1BF5;
	p2 =	por !p2, p0  }
0x20: {  	[sflag:s8] =	ssyncset.s32 @!p0 $0xFFFFF086;
	s6 =	sadd.s32 @!p0 s3, s7;
	s7 =	simm.s32 @!p0 $0x108  }
0x21: {  	s3 =	sadd.s32 s3, s9;
	s6 =	sadd.s32 @!p0 $0x88, s6;
	s7 =	simm.s32 @p2 $0x1082  }
0x22: {  	[simem:s7], [sflag:s8] =	dma.local @!p0 [hbm:s6], $0xF7A  }
0x23: {  	s9 =	sor.u32 $0xD0000000, s2;
	s6 =	simm.s32 $0x108;
	_ =	swait.ge @!p0 [sflag:s8], $0x0  }
0x24: {  	s3 =	sadd.s32 $0x88, s3;
	s6 =	simm.s32 @!p1 $0x1082;
	[sflag:s4] =	ssyncset.s32 $0xFFFFF086  }
0x25: {  	[simem:s6], [sflag:s4] =	dma.local [hbm:s3], $0xF7A  }
0x26: {  	[smem:$0x3F9A] =	sst s1;
	(tag) =	ssettag s2;
	_ =	strace s9  }
0x27: {  	s1 =	sld [smem:$0x3FAA]  }
0x28: {  	s2 =	sld [smem:$0x3FAB]  }
0x29: {  	s4 =	sld [smem:$0x3FAD]  }
0x2a: {  	p0 =	seq.s32 s5, $0x0;
	s5 =	sld [smem:$0x3FAE]  }
0x2b: {  	s6 =	sld [smem:$0x3FAF]  }
0x2c: {  	s7 =	sld [smem:$0x3FB0]  }
0x2d: {  	s3 =	simm.s32 $0x108;
	s8 =	sld [smem:$0x3FB1]  }
0x2e: {  	s3 =	simm.s32 @!p0 $0x1082;
	s9 =	sld [smem:$0x3FB2]  }
0x2f: {  	lr =	sadd.s32 s0, s3;
	s0 =	sld [smem:$0x3FA9]  }
0x30: {  	s3 =	sld [smem:$0x3FAC]  }
0x31: {  	[smem:$0x3FB5] =	sst s10  }
0x32: {  	s10 =	sld [smem:$0x3FB3];
	_ =	sdelay $0x3  }
0x33: {  	p0 =	seq.s32 s10, $0x1;
	s10 =	sld [smem:$0x3FB5];
	_ =	sdelay $0x3  }
0x34: {  	[smem:$0x3FB5] =	sst s10  }
0x35: {  	s10 =	sld [smem:$0x3FB4];
	_ =	sdelay $0x3  }
0x36: {  	p1 =	seq.s32 s10, $0x1;
	s10 =	sld [smem:$0x3FB5];
	_ =	sdelay $0x3  }
0x37: {  	[smem:$0x3FB5] =	sst s10  }
0x38: {  	s10 =	sld [smem:$0x3FB6]  }
0x39: {  	_ = 	snop;
	(pc) =	sbr.ind lr, $3  }
0x3a: {  	_ = 	snop  }
0x3b: {  	_ = 	snop  }
0x3c: {  	p2 =	seq.s32 s10, $0x1;
	s10 =	sld [smem:$0x3FB5]  }
0x3d: {  	_ =	shalt  }
0x3e: {  	_ =	shalt  }
0x3f: {  	_ =	shalt  }
0x40: {  	_ =	shalt  }
0x41: {  	_ =	shalt  }
0x42: {  	_ =	shalt  }
0x43: {  	_ =	shalt  }
0x44: {  	_ =	shalt  }
0x45: {  	_ =	shalt  }
0x46: {  	_ =	shalt  }
0x47: {  	_ =	shalt  }
0x48: {  	_ =	shalt  }
0x49: {  	_ =	shalt  }
0x4a: {  	_ =	shalt  }
0x4b: {  	_ =	shalt  }
0x4c: {  	_ =	shalt  }
0x4d: {  	_ =	shalt  }
0x4e: {  	_ =	shalt  }
0x4f: {  	_ =	shalt  }
0x50: {  	_ =	shalt  }
0x51: {  	_ =	shalt  }
0x52: {  	_ =	shalt  }
0x53: {  	_ =	shalt  }
0x54: {  	_ =	shalt  }
0x55: {  	_ =	shalt  }
0x56: {  	_ =	shalt  }
0x57: {  	_ =	shalt  }
0x58: {  	_ =	shalt  }
0x59: {  	_ =	shalt  }
0x5a: {  	_ =	shalt  }
0x5b: {  	_ =	shalt  }
0x5c: {  	_ =	shalt  }
0x5d: {  	_ =	shalt  }
0x5e: {  	_ =	shalt  }
0x5f: {  	_ =	shalt  }
0x60: {  	_ =	shalt  }
0x61: {  	_ =	shalt  }
0x62: {  	_ =	shalt  }
0x63: {  	_ =	shalt  }
0x64: {  	_ =	shalt  }
0x65: {  	_ =	shalt  }
0x66: {  	_ =	shalt  }
0x67: {  	_ =	shalt  }
0x68: {  	_ =	shalt  }
0x69: {  	_ =	shalt  }
0x6a: {  	_ =	shalt  }
0x6b: {  	_ =	shalt  }
0x6c: {  	_ =	shalt  }
0x6d: {  	_ =	shalt  }
0x6e: {  	_ =	shalt  }
0x6f: {  	_ =	shalt  }
0x70: {  	_ =	shalt  }
0x71: {  	_ =	shalt  }
0x72: {  	_ =	shalt  }
0x73: {  	_ =	shalt  }
0x74: {  	_ =	shalt  }
0x75: {  	_ =	shalt  }
0x76: {  	_ =	shalt  }
0x77: {  	_ =	shalt  }
0x78: {  	_ =	shalt  }
0x79: {  	_ =	shalt  }
0x7a: {  	_ =	shalt  }
0x7b: {  	_ =	shalt  }
0x7c: {  	_ =	shalt  }
0x7d: {  	_ =	shalt  }
0x7e: {  	_ =	shalt  }
0x7f: {  	_ =	shalt  }
0x80: {  	_ =	shalt  }
0x81: {  	_ =	shalt  }
0x82: {  	_ =	shalt  }
0x83: {  	_ =	shalt  }
0x84: {  	_ =	shalt  }
0x85: {  	_ =	shalt  }
0x86: {  	_ =	shalt  }
0x87: {  	_ =	shalt  }
.Lfunc_end0:
.L_simem_size_0:
called_computation_lowered:
.L_overlay_start_0:
0x88: {  	s2 =	sld [smem:$0x3FD9]  }
0x89: {  	s3 =	sld [smem:$0x3FFE];
	_ =	sdelay $0x1  }
0x8a: {  	s1 =	srdreg.scid  }
0x8b: {  	s0 =	sand.u32 $0x1, s1  }
0x8c: {  	s17 =	sshll.u32 s0, $0xA;
	s2 =	sadd.s32 s3, s2  }
0x8d: {  	s2 =	sadd.s32 s2, s17  }
0x8e: {  	[smem:$0x3FC1] =	sst s2  }
0x8f: {  	_ = 	snop  }
0x90: {  	s2 =	sld [smem:$0x3FC7]  }
0x91: {  	s18 =	sld [smem:$0x3FD0];
	(tm) =	ssettm $0x1  }
0x92: {  	s4 =	sld [smem:$0x3FFB];
	_ =	sdelay $0x3  }
0x93: {  	_ =	strace s4  }
0x94: {  	s4 =	sld [smem:$0x3FFC];
	_ =	sdelay $0x3  }
0x95: {  	_ =	strace s4  }
0x96: {  	s4 =	sld [smem:$0x3FFD];
	_ =	sdelay $0x3  }
0x97: {  	_ =	strace s4  }
0x98: {  	_ =	strace $0x8FFFFFFF  }
0x99: {  	s19 =	sld [smem:$0x3FDB];
	_ =	sdelay $0x1  }
0x9a: {  	s5 =	simm.s32 $_scs_section_size  }
0x9b: {  	s6 =	simm.s32 $_size__tile_overlayer_lowered;
	s7 =	simm.s32 $_tile_overlayer_lowered  }
0x9c: {  	s22 =	simm.s32 $0x1BFF;
	s21 =	sshll.u32 s7, $0x1;
	s4 =	sadd.s32 s5, s19  }
0x9d: {  	s8 =	simm.s32 $0x0;
	s20 =	sshll.u32 s6, $0x1;
	s6 =	sadd.s32 s21, s4  }
0x9e: {  	[timem:s8], [sflag:s22] =	dma.local [hbm:s6], s20  }
0x9f: {  	_ =	swait.ge [sflag:s22], s20  }
0xa0: {  	s5 =	ssub.s32 $0x0, s20;
	[sflag:s22] =	ssyncset.done $0x0  }
0xa1: {  	[sflag:s22] =	ssyncadd.s32 s5;
	_ =	sdelay $0x1  }
0xa2: {  	s23 =	simm.s32 $0x1B8B  }
0xa3: {  	_ =	swait.ge [sflag:s23], $0x1  }
0xa4: {  	[sflag:s23] =	ssyncset.done $0x0  }
0xa5: {  	s25 =	simm.s32 $0x1B8E;
	s24 =	sld [smem:$0x3FFE];
	[sflag:s23] =	ssyncadd.s32 $0xFFFFFFFF  }
0xa6: {  	s26 =	simm.s32 $execute0_lowered;
	[smem:$0x3FD2] =	sst s25  }
0xa7: {  	s6 =	sshll.u32 s26, $0x1;
	_ =	strace $0x80000046;
	[dreg:$0x1] =	wrdreg $0xFFFFFFFF  }
0xa8: {  	s28 =	simm.s32 $_size_execute0_lowered;
	s4 =	sadd.s32 s4, s6;
	[dreg:$0x0] =	wrdreg $0x0  }
0xa9: {  	s6 =	sshll.u32 s28, $0x1;
	[dreg:$0x2] =	wrdreg s4  }
0xaa: {  	[dreg:$0x3] =	wrdreg s6  }
0xab: {  	[dreg:$0x4] =	wrdreg $0xC0  }
0xac: {  	_ =	task [dreg:s8], $0x5FFFF  }
0xad: {  	[dreg:$0x1] =	wrdreg $0xFFFFFFFF  }
0xae: {  	[dreg:$0x0] =	wrdreg $0x60  }
0xaf: {  	[dreg:$0x2] =	wrdreg s18  }
0xb0: {  	[dreg:$0x3] =	wrdreg s2  }
0xb1: {  	[dreg:$0x4] =	wrdreg s24  }
0xb2: {  	[dreg:$0x5] =	wrdreg $0x9  }
0xb3: {  	_ =	task.clear_ibuf [dreg:s8], $0x6FFFF;
	_ =	strace $0x90000046  }
0xb4: {  	s29 =	simm.s32 $0x9;
	_ =	strace $0x80000048  }
0xb5: {  	_ =	swait.ge [sflag:s29], $0x1  }
0xb6: {  	[sflag:s29] =	ssyncadd.s32 $0xFFFFFFFF  }
0xb7: {  	_ =	strace $0x90000048  }
0xb8: {  	_ =	sfence  }
0xb9: {  	s30 =	sld [smem:$0x0];
	_ =	sdelay $0x2  }
0xba: {  	s31 =	sshll.u32 s1, $0xD;
	s1 =	sshrl.u32 s1, $0x2  }
0xbb: {  	s3 =	sand.u32 $0x4000, s31;
	s1 =	sadd.s32 s1, s30  }
0xbc: {  	s0 =	sor.u32 s3, s0;
	s1 =	sshll.u32 s1, $0x11  }
0xbd: {  	s0 =	sor.u32 s1, s0  }
0xbe: {  	s0 =	sadd.s32 $0x8F2B, s0  }
0xbf: {  	[sflag:s0] =	ssyncadd.remote.s32 $0x1  }
0xc0: {  	_ =	sfence.sel $0xFFFF  }
0xc1: {  	[dreg:$0x0] =	wrdreg $0xFFFFFFFF;
	(pc) =	sbr.abs _section_cstart, $3  }
0xc2: {  	[dreg:$0x1] =	wrdreg $0xFFFFFFFF  }
0xc3: {  	_ =	task.clear_ibuf [dreg:s8], $0x2FFFF;
	_ =	strace $0x9FFFFFFF  }
0xc4: {  	(tm) =	ssettm $0x7FFFFFFF  }
0xc5: {  	_ =	shalt  }
tec
execute0_lowered:
.L_overlay_start_1:
0x0: {  	(tag) =	ssettag $0x1  }
0x1: {  	s1 =	srdreg.scid  }
0x2: {  	s0 =	stileid.u32;
	s4 =	rddreg [dreg:$0x0]  }
0x3: {  	s2 =	rddreg [dreg:$0x1];
	s1 =	sand.u32 $0x1, s1;
	s3 =	sshll.u32 s0, $0x1  }
0x4: {  	s6 =	rddreg [dreg:$0x2];
	s5 =	sor.u32 s1, s3;
	s3 =	simm.s32 $0x0  }
0x5: {  	s18 =	simm.s32 $0x80;
	[smem:$0x7FF] =	sst s3  }
0x6: {  	s19 =	simm.s32 $0x900;
	_ =	strace $0x80000047;
	[dreg:$0x7] =	wrdreg s18  }
0x7: {  	s20 =	simm.s32 $0x1100;
	[dreg:$0x8] =	wrdreg s19  }
0x8: {  	s21 =	simm.s32 $0x1900;
	[dreg:$0x9] =	wrdreg s20  }
0x9: {  	s22 =	simm.s32 $0x2100;
	[dreg:$0xa] =	wrdreg s21  }
0xa: {  	s23 =	simm.s32 $0x2900;
	[dreg:$0xb] =	wrdreg s22  }
0xb: {  	s24 =	simm.s32 $0x3100;
	[dreg:$0xc] =	wrdreg s23  }
0xc: {  	s25 =	simm.s32 $0x3900;
	[dreg:$0xd] =	wrdreg s24  }
0xd: {  	s26 =	simm.s32 $0x4100;
	s9 =	simm.s32 $0x6900;
	[dreg:$0xe] =	wrdreg s25  }
0xe: {  	s8 =	sshll.u32 s0, $0x2;
	s0 =	simm.s32 $0x4900;
	[dreg:$0xf] =	wrdreg s26  }
0xf: {  	s10 =	simm.s32 $0x7100;
	s11 =	simm.s32 $0x7900;
	[dreg:$0x10] =	wrdreg s0  }
0x10: {  	s12 =	simm.s32 $0x8100;
	s13 =	simm.s32 $0x8900;
	[dreg:$0x14] =	wrdreg s9  }
0x11: {  	s14 =	simm.s32 $0x9100;
	s15 =	simm.s32 $0x9900;
	[dreg:$0x15] =	wrdreg s10  }
0x12: {  	s28 =	simm.s32 $0x17900;
	s29 =	simm.s32 $0x1;
	[dreg:$0x16] =	wrdreg s11  }
0x13: {  	s30 =	simm.s32 $0x2;
	s31 =	simm.s32 $0x3;
	[dreg:$0x17] =	wrdreg s12  }
0x14: {  	s6 =	sadd.s32 $0x1600, s6;
	s1 =	ssub.s32 $0x2, s1;
	[dreg:$0x18] =	wrdreg s13  }
0x15: {  	s7 =	sshll.u32 s5, $0x6;
	s16 =	smul.u32 $0x18000, s5;
	[dreg:$0x19] =	wrdreg s14  }
0x16: {  	s5 =	smul.u32 $0x3000, s5;
	s7 =	sor.u32 s8, s7;
	[dreg:$0x1a] =	wrdreg s15  }
0x17: {  	s18 =	simm.s32 $0xB100;
	s19 =	simm.s32 $0xB900;
	s20 =	sshrl.u32 s1, $0x1  }
0x18: {  	s21 =	simm.s32 $0xC900;
	s22 =	simm.s32 $0xD100;
	s23 =	simm.s32 $0xD900  }
0x19: {  	s24 =	simm.s32 $0xE100;
	s25 =	simm.s32 $0xE900;
	[dreg:$0x1d] =	wrdreg s18  }
0x1a: {  	s26 =	simm.s32 $0xF100;
	s9 =	simm.s32 $0x100;
	[dreg:$0x1e] =	wrdreg s19  }
0x1b: {  	s10 =	simm.s32 $0xC100;
	s12 =	simm.s32 $0x10100;
	[dreg:$0x1f] =	wrdreg s21  }
0x1c: {  	s13 =	simm.s32 $0x10900;
	s14 =	simm.s32 $0x11100;
	[smem:$0x7F9] =	sst s22  }
0x1d: {  	s15 =	simm.s32 $0x11900;
	s7 =	sand.u32 $0x1F0, s7;
	[smem:$0x7FA] =	sst s23  }
0x1e: {  	s8 =	sshrl.u32 s16, $0x3;
	s5 =	sadd.s32 s6, s5;
	[smem:$0x7FB] =	sst s24  }
0x1f: {  	s16 =	simm.s32 $0xA100;
	s1 =	ssub.s32 s1, s20;
	[smem:$0x7FC] =	sst s25  }
0x20: {  	[smem:$0x7FD] =	sst s26;
	s18 =	simm.s32 $0x13100;
	s19 =	simm.s32 $0x13900  }
0x21: {  	s20 =	simm.s32 $0x14100;
	s21 =	simm.s32 $0x14900;
	s22 =	simm.s32 $0x15100  }
0x22: {  	s23 =	simm.s32 $0x15900;
	s4 =	sadd.s32 s4, s7;
	[dreg:$0x5] =	wrdreg s5  }
0x23: {  	s6 =	sadd.s32 s6, s8;
	s8 =	simm.s32 $0x6100;
	[dreg:$0x1b] =	wrdreg s16  }
0x24: {  	s24 =	simm.s32 $0x16100;
	s7 =	sadd.s32 $0x8, s4;
	[dreg:$0x13] =	wrdreg s8  }
0x25: {  	s25 =	simm.s32 $0x16900;
	s17 =	sadd.s32 $0x1800, s6;
	[dreg:$0x4] =	wrdreg s7  }
0x26: {  	s26 =	simm.s32 $0x17100;
	s6 =	simm.s32 $0x5100;
	[dreg:$0x6] =	wrdreg s17  }
0x27: {  	s5 =	sadd.s32 $0x100, s2;
	[dreg:$0x11] =	wrdreg s6;
	s7 =	simm.s32 $0x5900  }
0x28: {  	v2 =	vlaneseq.u32;
	s16 =	simm.s32 $0x12100;
	s17 =	simm.s32 $0xA900;
	[dreg:$0x12] =	wrdreg s7  }
0x29: {  	vm0 =	vmmov $0xffff;
	v1 =	vshrl.u32 v2, $0x3;
	s8 =	simm.s32 $0x5;
	s6 =	sadd.s32 $0x200, s2;
	[dreg:$0x1c] =	wrdreg s17  }
0x2a: {  	v0 =	vand.u32 $0x7, v2;
	v2 =	vor.u32 $0x8, v2;
	v1 =	vmul.u32 $0x8, v1;
	s7 =	smax.u32 s1, $0x1;
	s17 =	simm.s32 $0x12900;
	s1 =	simm.s32 $0x4  }
.LBB2_1:
0x2b: {  	[tilespmem:s3], [sflag:$0x5] =	stream.linear.gather [hbm4b:s4+s3], $0x40, $0x38;
	[tilespmem:$0x18100] =	vst v63  }
0x2c: {  	_ =	swait.ge [sflag:s8], $0x40  }
0x2d: {  	s0 =	rddreg [dreg:$0x4];
	[sflag:s8] =	ssyncset.done $0x0  }
0x2e: {  	s11 =	rddreg [dreg:$0x7];
	[sflag:s8] =	ssyncadd.s32 $0xFFFFFFC0  }
0x2f: {  	[tilespmem:s11], [sflag:$0x5] =	stream.linear.gather [hbm4b:s0+s3], $0x40, $0x38;
	[tilespmem:$0x18100] =	vst v63  }
0x30: {  	_ =	swait.ge [sflag:s8], $0x40  }
0x31: {  	[sflag:s8] =	ssyncset.done $0x0  }
0x32: {  	[sflag:s8] =	ssyncadd.s32 $0xFFFFFFC0  }
0x33: {  	v3 =	vld [tilespmem:$0x0];
	_ =	sdelay $0x4  }
0x34: {  	v4 =	vshrl.u32 v3, $0x3  }
0x35: {  	v4 =	vmul.u32 $0x30, v4  }
0x36: {  	v3 =	vand.u32 $0x7, v3  }
0x37: {  	v3 =	vor.u32 v3, v4  }
0x38: {  	v4 =	vperm.xlane v3, v0;
	_ =	sdelay $0x1  }
0x39: {  	v4 =	vadd.s32 v1, v4;
	_ =	sdelay $0x3  }
0x3a: {  	v3 =	vperm.xlane v3, v2  }
0x3b: {  	[tilespmem:s9], [sflag:$0x1] =	stream.indirect_vreg.gather [hbm4b:s2+s3], $0x80, v4, vm0, $0xb8;
	[tilespmem:$0x18100] =	vst v63  }
0x3c: {  	s0 =	rddreg [dreg:$0x8];
	v3 =	vadd.s32 v1, v3  }
0x3d: {  	[tilespmem:s0], [sflag:$0x1] =	stream.indirect_vreg.gather [hbm4b:s5+s3], $0x80, v4, vm0, $0xb8;
	[tilespmem:$0x18100] =	vst v63  }
0x3e: {  	s11 =	rddreg [dreg:$0x9]  }
0x3f: {  	[tilespmem:s11], [sflag:$0x1] =	stream.indirect_vreg.gather [hbm4b:s6+s3], $0x80, v4, vm0, $0xb8;
	[tilespmem:$0x18100] =	vst v63  }
0x40: {  	s0 =	rddreg [dreg:$0xa]  }
0x41: {  	[tilespmem:s0], [sflag:$0x1] =	stream.indirect_vreg.gather [hbm4b:s2+s3], $0x80, v3, vm0, $0xb8;
	[tilespmem:$0x18100] =	vst v63  }
0x42: {  	s11 =	rddreg [dreg:$0xb]  }
0x43: {  	[tilespmem:s11], [sflag:$0x1] =	stream.indirect_vreg.gather [hbm4b:s5+s3], $0x80, v3, vm0, $0xb8;
	[tilespmem:$0x18100] =	vst v63  }
0x44: {  	s0 =	rddreg [dreg:$0xc]  }
0x45: {  	[tilespmem:s0], [sflag:$0x1] =	stream.indirect_vreg.gather [hbm4b:s6+s3], $0x80, v3, vm0, $0xb8;
	[tilespmem:$0x18100] =	vst v63  }
0x46: {  	v3 =	vld [tilespmem:$0x10];
	_ =	sdelay $0x4  }
0x47: {  	v57 =	vshrl.u32 v3, $0x3  }
0x48: {  	v4 =	vmul.u32 $0x30, v57  }
0x49: {  	v3 =	vand.u32 $0x7, v3  }
0x4a: {  	v3 =	vor.u32 v3, v4  }
0x4b: {  	v4 =	vperm.xlane v3, v0;
	_ =	sdelay $0x1  }
0x4c: {  	v4 =	vadd.s32 v1, v4;
	_ =	sdelay $0x3  }
0x4d: {  	s0 =	rddreg [dreg:$0xd];
	v3 =	vperm.xlane v3, v2  }
0x4e: {  	[tilespmem:s0], [sflag:$0x1] =	stream.indirect_vreg.gather [hbm4b:s2+s3], $0x80, v4, vm0, $0xb8;
	[tilespmem:$0x18100] =	vst v63  }
0x4f: {  	s11 =	rddreg [dreg:$0xe];
	v3 =	vadd.s32 v1, v3  }
0x50: {  	[tilespmem:s11], [sflag:$0x1] =	stream.indirect_vreg.gather [hbm4b:s5+s3], $0x80, v4, vm0, $0xb8;
	[tilespmem:$0x18100] =	vst v63  }
0x51: {  	s0 =	rddreg [dreg:$0xf]  }
0x52: {  	[tilespmem:s0], [sflag:$0x1] =	stream.indirect_vreg.gather [hbm4b:s6+s3], $0x80, v4, vm0, $0xb8;
	[tilespmem:$0x18100] =	vst v63  }
0x53: {  	s11 =	rddreg [dreg:$0x10]  }
0x54: {  	[tilespmem:s11], [sflag:$0x1] =	stream.indirect_vreg.gather [hbm4b:s2+s3], $0x80, v3, vm0, $0xb8;
	[tilespmem:$0x18100] =	vst v63  }
0x55: {  	s0 =	rddreg [dreg:$0x11]  }
0x56: {  	[tilespmem:s0], [sflag:$0x1] =	stream.indirect_vreg.gather [hbm4b:s5+s3], $0x80, v3, vm0, $0xb8;
	[tilespmem:$0x18100] =	vst v63  }
0x57: {  	s11 =	rddreg [dreg:$0x12]  }
0x58: {  	[tilespmem:s11], [sflag:$0x1] =	stream.indirect_vreg.gather [hbm4b:s6+s3], $0x80, v3, vm0, $0xb8;
	[tilespmem:$0x18100] =	vst v63  }
0x59: {  	v3 =	vld [tilespmem:$0x20];
	_ =	sdelay $0x4  }
0x5a: {  	v58 =	vshrl.u32 v3, $0x3  }
0x5b: {  	v4 =	vmul.u32 $0x30, v58  }
0x5c: {  	v3 =	vand.u32 $0x7, v3  }
0x5d: {  	v3 =	vor.u32 v3, v4  }
0x5e: {  	v4 =	vperm.xlane v3, v0;
	_ =	sdelay $0x1  }
0x5f: {  	v4 =	vadd.s32 v1, v4;
	_ =	sdelay $0x3  }
0x60: {  	s0 =	rddreg [dreg:$0x13];
	v3 =	vperm.xlane v3, v2  }
0x61: {  	[tilespmem:s0], [sflag:$0x1] =	stream.indirect_vreg.gather [hbm4b:s2+s3], $0x80, v4, vm0, $0xb8;
	[tilespmem:$0x18100] =	vst v63  }
0x62: {  	s11 =	rddreg [dreg:$0x14];
	v3 =	vadd.s32 v1, v3  }
0x63: {  	[tilespmem:s11], [sflag:$0x1] =	stream.indirect_vreg.gather [hbm4b:s5+s3], $0x80, v4, vm0, $0xb8;
	[tilespmem:$0x18100] =	vst v63  }
0x64: {  	s0 =	rddreg [dreg:$0x15]  }
0x65: {  	[tilespmem:s0], [sflag:$0x1] =	stream.indirect_vreg.gather [hbm4b:s6+s3], $0x80, v4, vm0, $0xb8;
	[tilespmem:$0x18100] =	vst v63  }
0x66: {  	s11 =	rddreg [dreg:$0x16]  }
0x67: {  	[tilespmem:s11], [sflag:$0x1] =	stream.indirect_vreg.gather [hbm4b:s2+s3], $0x80, v3, vm0, $0xb8;
	[tilespmem:$0x18100] =	vst v63  }
0x68: {  	s0 =	rddreg [dreg:$0x17]  }
0x69: {  	[tilespmem:s0], [sflag:$0x1] =	stream.indirect_vreg.gather [hbm4b:s5+s3], $0x80, v3, vm0, $0xb8;
	[tilespmem:$0x18100] =	vst v63  }
0x6a: {  	s11 =	rddreg [dreg:$0x18]  }
0x6b: {  	[tilespmem:s11], [sflag:$0x1] =	stream.indirect_vreg.gather [hbm4b:s6+s3], $0x80, v3, vm0, $0xb8;
	[tilespmem:$0x18100] =	vst v63  }
0x6c: {  	v3 =	vld [tilespmem:$0x30];
	_ =	sdelay $0x4  }
0x6d: {  	v59 =	vshrl.u32 v3, $0x3  }
0x6e: {  	v4 =	vmul.u32 $0x30, v59  }
0x6f: {  	v3 =	vand.u32 $0x7, v3  }
0x70: {  	v3 =	vor.u32 v3, v4  }
0x71: {  	v4 =	vperm.xlane v3, v0;
	_ =	sdelay $0x1  }
0x72: {  	v4 =	vadd.s32 v1, v4;
	_ =	sdelay $0x3  }
0x73: {  	s0 =	rddreg [dreg:$0x19];
	v3 =	vperm.xlane v3, v2  }
0x74: {  	[tilespmem:s0], [sflag:$0x1] =	stream.indirect_vreg.gather [hbm4b:s2+s3], $0x80, v4, vm0, $0xb8;
	[tilespmem:$0x18100] =	vst v63  }
0x75: {  	s11 =	rddreg [dreg:$0x1a];
	v3 =	vadd.s32 v1, v3  }
0x76: {  	[tilespmem:s11], [sflag:$0x1] =	stream.indirect_vreg.gather [hbm4b:s5+s3], $0x80, v4, vm0, $0xb8;
	[tilespmem:$0x18100] =	vst v63  }
0x77: {  	s0 =	rddreg [dreg:$0x1b]  }
0x78: {  	[tilespmem:s0], [sflag:$0x1] =	stream.indirect_vreg.gather [hbm4b:s6+s3], $0x80, v4, vm0, $0xb8;
	[tilespmem:$0x18100] =	vst v63  }
0x79: {  	s11 =	rddreg [dreg:$0x1c]  }
0x7a: {  	[tilespmem:s11], [sflag:$0x1] =	stream.indirect_vreg.gather [hbm4b:s2+s3], $0x80, v3, vm0, $0xb8;
	[tilespmem:$0x18100] =	vst v63  }
0x7b: {  	s0 =	rddreg [dreg:$0x1d]  }
0x7c: {  	[tilespmem:s0], [sflag:$0x1] =	stream.indirect_vreg.gather [hbm4b:s5+s3], $0x80, v3, vm0, $0xb8;
	[tilespmem:$0x18100] =	vst v63  }
0x7d: {  	s11 =	rddreg [dreg:$0x1e]  }
0x7e: {  	[tilespmem:s11], [sflag:$0x1] =	stream.indirect_vreg.gather [hbm4b:s6+s3], $0x80, v3, vm0, $0xb8;
	[tilespmem:$0x18100] =	vst v63  }
0x7f: {  	v3 =	vld [tilespmem:$0x80];
	_ =	sdelay $0x4  }
0x80: {  	v60 =	vshrl.u32 v3, $0x3  }
0x81: {  	v4 =	vmul.u32 $0x30, v60  }
0x82: {  	v3 =	vand.u32 $0x7, v3  }
0x83: {  	v3 =	vor.u32 v3, v4  }
0x84: {  	v4 =	vperm.xlane v3, v0;
	_ =	sdelay $0x1  }
0x85: {  	v4 =	vadd.s32 v1, v4;
	_ =	sdelay $0x3  }
0x86: {  	s0 =	rddreg [dreg:$0x1f];
	v3 =	vperm.xlane v3, v2  }
0x87: {  	[tilespmem:s10], [sflag:$0x2] =	stream.indirect_vreg.gather [hbm4b:s2+s3], $0x80, v4, vm0, $0xb8;
	[tilespmem:$0x18100] =	vst v63  }
0x88: {  	s11 =	sld [smem:$0x7F9];
	v3 =	vadd.s32 v1, v3  }
0x89: {  	[tilespmem:s0], [sflag:$0x2] =	stream.indirect_vreg.gather [hbm4b:s5+s3], $0x80, v4, vm0, $0xb8;
	[tilespmem:$0x18100] =	vst v63  }
0x8a: {  	s0 =	sld [smem:$0x7FA]  }
0x8b: {  	[tilespmem:s11], [sflag:$0x2] =	stream.indirect_vreg.gather [hbm4b:s6+s3], $0x80, v4, vm0, $0xb8;
	[tilespmem:$0x18100] =	vst v63  }
0x8c: {  	s11 =	sld [smem:$0x7FB]  }
0x8d: {  	[tilespmem:s0], [sflag:$0x2] =	stream.indirect_vreg.gather [hbm4b:s2+s3], $0x80, v3, vm0, $0xb8;
	[tilespmem:$0x18100] =	vst v63  }
0x8e: {  	s0 =	sld [smem:$0x7FC]  }
0x8f: {  	[tilespmem:s11], [sflag:$0x2] =	stream.indirect_vreg.gather [hbm4b:s5+s3], $0x80, v3, vm0, $0xb8;
	[tilespmem:$0x18100] =	vst v63  }
0x90: {  	_ = 	snop  }
0x91: {  	[tilespmem:s0], [sflag:$0x2] =	stream.indirect_vreg.gather [hbm4b:s6+s3], $0x80, v3, vm0, $0xb8;
	[tilespmem:$0x18100] =	vst v63  }
0x92: {  	v3 =	vld [tilespmem:$0x90];
	_ =	sdelay $0x4  }
0x93: {  	v61 =	vshrl.u32 v3, $0x3  }
0x94: {  	v4 =	vmul.u32 $0x30, v61  }
0x95: {  	v3 =	vand.u32 $0x7, v3  }
0x96: {  	v3 =	vor.u32 v3, v4  }
0x97: {  	v4 =	vperm.xlane v3, v0;
	_ =	sdelay $0x1  }
0x98: {  	v4 =	vadd.s32 v1, v4;
	_ =	sdelay $0x1  }
0x99: {  	s11 =	sld [smem:$0x7FD];
	_ =	sdelay $0x1  }
0x9a: {  	v3 =	vperm.xlane v3, v2  }
0x9b: {  	[tilespmem:s11], [sflag:$0x2] =	stream.indirect_vreg.gather [hbm4b:s2+s3], $0x80, v4, vm0, $0xb8;
	[tilespmem:$0x18100] =	vst v63  }
0x9c: {  	v3 =	vadd.s32 v1, v3;
	s11 =	simm.s32 $0xF900  }
0x9d: {  	[tilespmem:s11], [sflag:$0x2] =	stream.indirect_vreg.gather [hbm4b:s5+s3], $0x80, v4, vm0, $0xb8;
	[tilespmem:$0x18100] =	vst v63  }
0x9e: {  	_ = 	snop  }
0x9f: {  	[tilespmem:s12], [sflag:$0x2] =	stream.indirect_vreg.gather [hbm4b:s6+s3], $0x80, v4, vm0, $0xb8;
	[tilespmem:$0x18100] =	vst v63  }
0xa0: {  	_ = 	snop  }
0xa1: {  	[tilespmem:s13], [sflag:$0x2] =	stream.indirect_vreg.gather [hbm4b:s2+s3], $0x80, v3, vm0, $0xb8;
	[tilespmem:$0x18100] =	vst v63  }
0xa2: {  	_ = 	snop  }
0xa3: {  	[tilespmem:s14], [sflag:$0x2] =	stream.indirect_vreg.gather [hbm4b:s5+s3], $0x80, v3, vm0, $0xb8;
	[tilespmem:$0x18100] =	vst v63  }
0xa4: {  	_ = 	snop  }
0xa5: {  	[tilespmem:s15], [sflag:$0x2] =	stream.indirect_vreg.gather [hbm4b:s6+s3], $0x80, v3, vm0, $0xb8;
	[tilespmem:$0x18100] =	vst v63  }
0xa6: {  	v3 =	vld [tilespmem:$0xA0];
	_ =	sdelay $0x4  }
0xa7: {  	v62 =	vshrl.u32 v3, $0x3  }
0xa8: {  	v4 =	vmul.u32 $0x30, v62  }
0xa9: {  	v3 =	vand.u32 $0x7, v3  }
0xaa: {  	v3 =	vor.u32 v3, v4  }
0xab: {  	v4 =	vperm.xlane v3, v0;
	_ =	sdelay $0x1  }
0xac: {  	v4 =	vadd.s32 v1, v4;
	_ =	sdelay $0x3  }
0xad: {  	v3 =	vperm.xlane v3, v2  }
0xae: {  	[tilespmem:s16], [sflag:$0x2] =	stream.indirect_vreg.gather [hbm4b:s2+s3], $0x80, v4, vm0, $0xb8;
	[tilespmem:$0x18100] =	vst v63  }
0xaf: {  	v3 =	vadd.s32 v1, v3  }
0xb0: {  	[tilespmem:s17], [sflag:$0x2] =	stream.indirect_vreg.gather [hbm4b:s5+s3], $0x80, v4, vm0, $0xb8;
	[tilespmem:$0x18100] =	vst v63  }
0xb1: {  	_ = 	snop  }
0xb2: {  	[tilespmem:s18], [sflag:$0x2] =	stream.indirect_vreg.gather [hbm4b:s6+s3], $0x80, v4, vm0, $0xb8;
	[tilespmem:$0x18100] =	vst v63  }
0xb3: {  	_ = 	snop  }
0xb4: {  	[tilespmem:s19], [sflag:$0x2] =	stream.indirect_vreg.gather [hbm4b:s2+s3], $0x80, v3, vm0, $0xb8;
	[tilespmem:$0x18100] =	vst v63  }
0xb5: {  	_ = 	snop  }
0xb6: {  	[tilespmem:s20], [sflag:$0x2] =	stream.indirect_vreg.gather [hbm4b:s5+s3], $0x80, v3, vm0, $0xb8;
	[tilespmem:$0x18100] =	vst v63  }
0xb7: {  	_ = 	snop  }
0xb8: {  	[tilespmem:s21], [sflag:$0x2] =	stream.indirect_vreg.gather [hbm4b:s6+s3], $0x80, v3, vm0, $0xb8;
	[tilespmem:$0x18100] =	vst v63  }
0xb9: {  	v3 =	vld [tilespmem:$0xB0];
	_ =	sdelay $0x4  }
0xba: {  	v63 =	vshrl.u32 v3, $0x3  }
0xbb: {  	v4 =	vmul.u32 $0x30, v63  }
0xbc: {  	v3 =	vand.u32 $0x7, v3  }
0xbd: {  	v3 =	vor.u32 v3, v4  }
0xbe: {  	v4 =	vperm.xlane v3, v0;
	_ =	sdelay $0x1  }
0xbf: {  	v4 =	vadd.s32 v1, v4;
	_ =	sdelay $0x3  }
0xc0: {  	v3 =	vperm.xlane v3, v2  }
0xc1: {  	[tilespmem:s22], [sflag:$0x2] =	stream.indirect_vreg.gather [hbm4b:s2+s3], $0x80, v4, vm0, $0xb8;
	[tilespmem:$0x18100] =	vst v63  }
0xc2: {  	v3 =	vadd.s32 v1, v3  }
0xc3: {  	[tilespmem:s23], [sflag:$0x2] =	stream.indirect_vreg.gather [hbm4b:s5+s3], $0x80, v4, vm0, $0xb8;
	[tilespmem:$0x18100] =	vst v63  }
0xc4: {  	_ = 	snop  }
0xc5: {  	[tilespmem:s24], [sflag:$0x2] =	stream.indirect_vreg.gather [hbm4b:s6+s3], $0x80, v4, vm0, $0xb8;
	[tilespmem:$0x18100] =	vst v63  }
0xc6: {  	_ = 	snop  }
0xc7: {  	[tilespmem:s25], [sflag:$0x2] =	stream.indirect_vreg.gather [hbm4b:s2+s3], $0x80, v3, vm0, $0xb8;
	[tilespmem:$0x18100] =	vst v63  }
0xc8: {  	_ = 	snop  }
0xc9: {  	[tilespmem:s26], [sflag:$0x2] =	stream.indirect_vreg.gather [hbm4b:s5+s3], $0x80, v3, vm0, $0xb8;
	[tilespmem:$0x18100] =	vst v63  }
0xca: {  	_ = 	snop  }
0xcb: {  	[tilespmem:s28], [sflag:$0x2] =	stream.indirect_vreg.gather [hbm4b:s6+s3], $0x80, v3, vm0, $0xb8;
	[tilespmem:$0x18100] =	vst v63  }
0xcc: {  	_ =	swait.ge [sflag:s29], $0xC000  }
0xcd: {  	[sflag:s29] =	ssyncset.done $0x0  }
0xce: {  	s11 =	rddreg [dreg:$0x5];
	[sflag:s29] =	ssyncadd.s32 $0xFFFF4000  }
0xcf: {  	[hbm4b:s11+s3] =	stream.linear.scatter [tilespmem:s9], [sflag:$0x3], $0xC000, $0x38;
	[tilespmem:$0x18100] =	vst v63  }
0xd0: {  	_ =	swait.ge [sflag:s30], $0xC000  }
0xd1: {  	[sflag:s30] =	ssyncset.done $0x0  }
0xd2: {  	s11 =	rddreg [dreg:$0x6];
	[sflag:s30] =	ssyncadd.s32 $0xFFFF4000  }
0xd3: {  	[hbm4b:s11+s3] =	stream.linear.scatter [tilespmem:s10], [sflag:$0x4], $0xC000, $0x38;
	[tilespmem:$0x18100] =	vst v63  }
0xd4: {  	p0 =	sne.s32 s7, $0x1;
	_ =	swait.ge [sflag:s31], $0xC000  }
.Ltmp0:
0xd5: {  	[sflag:s31] =	ssyncset.done $0x0;
	(pc) =	sbr.rel @p0 .LBB2_1-.Ltmp0, $4  }
0xd6: {  	[sflag:s31] =	ssyncadd.s32 $0xFFFF4000  }
0xd7: {  	_ =	swait.ge [sflag:s1], $0xC000  }
0xd8: {  	[sflag:s1] =	ssyncset.done $0x0  }
0xd9: {  	s7 =	sadd.s32 $0xFFFFFFFF, s7;
	[sflag:s1] =	ssyncadd.s32 $0xFFFF4000  }
0xda: {  	_ =	sfence.sel $0x180000  }
0xdb: {  	[bflag:$0x0] =	sbarrier.arrive $0xFFFF  }
0xdc: {  	_ =	strace $0x90000047  }
0xdd: {  	s0 =	stileid.u32;
	[bflag:$0x2] =	sbarrier.arrive $0xFFFF  }
0xde: {  	p0 =	sne.s32 s0, $0x0;
	s0 =	rddreg [dreg:$0x3]  }
0xdf: {  	s0 =	sadd.s32 @!p0 $0x100000, s0  }
0xe0: {  	[sflag:s0] =	ssyncadd.tile.s32 @!p0 $0x1;
	_ =	shalt  }
.Lfunc_end2:
_tile_overlayer_lowered:
.L_overlay_start_2:
0xe1: {  	(tag) =	ssettag $0x2  }
0xe2: {  	s0 =	rddreg [dreg:$0x0];
	s2 =	stileid.u32  }
0xe3: {  	s1 =	rddreg [dreg:$0x1];
	p0 =	sne.s32 s2, $0x0  }
0xe4: {  	s3 =	rddreg [dreg:$0x2];
	[bflag:$0x3] =	sbarrier.arrive $0xFFFF;
	s2 =	simm.s32 @!p0 $0x1C05  }
0xe5: {  	[timem:s3], [sflag:s2] =	dma.local @!p0 [hbm:s0], s1  }
0xe6: {  	s0 =	simm.s32 @!p0 $0x5  }
0xe7: {  	_ =	swait.ge @!p0 [sflag:s0], s1  }
0xe8: {  	s1 =	ssub.s32 @!p0 $0x0, s1;
	[sflag:s0] =	ssyncset.done @!p0 $0x0  }
0xe9: {  	[sflag:s0] =	ssyncadd.s32 @!p0 s1  }
0xea: {  	[bflag:$0x3] =	sbarrier.arrive $0xFFFF  }
0xeb: {  	_ =	shalt  }

// kernel: kernel.9.cloned.1.call-start
scs
__scs_entry_jumppad:
0x0: {  	(pc) =	sbr.rel $0x88, $3  }
0x1: {  	(tag) =	ssettag $0x0;
	lr =	simm.s32 $0x1  }
0x2: {  	[smem:$0x3F9A] =	sst lr;
	_ =	strace $0xD0000000  }
0x3: {  	_ = 	snop  }
0x4: {  	_ = 	snop  }
0x5: {  	_ = 	snop  }
0x6: {  	_ = 	snop  }
0x7: {  	_ = 	snop  }
__scs_overlays_trampoline_lowered:
0x8: {  	[smem:$0x3FA9] =	sst s0  }
0x9: {  	[smem:$0x3FAA] =	sst s1  }
0xa: {  	[smem:$0x3FAB] =	sst s2  }
0xb: {  	[smem:$0x3FAC] =	sst s3  }
0xc: {  	[smem:$0x3FAD] =	sst s4  }
0xd: {  	[smem:$0x3FAE] =	sst s5  }
0xe: {  	[smem:$0x3FAF] =	sst s6  }
0xf: {  	[smem:$0x3FB0] =	sst s7  }
0x10: {  	[smem:$0x3FB1] =	sst s8  }
0x11: {  	[smem:$0x3FB2] =	sst s9;
	s0 =	simm.s32 @!p0 $0x0  }
0x12: {  	s1 =	sld [smem:$0x3F98];
	s0 =	simm.s32 @p0 $0x1  }
0x13: {  	[smem:$0x3FB3] =	sst s0;
	s0 =	simm.s32 @!p1 $0x0  }
0x14: {  	s2 =	sld [smem:$0x3F97];
	s0 =	simm.s32 @p1 $0x1  }
0x15: {  	[smem:$0x3FB4] =	sst s0;
	s0 =	simm.s32 @!p2 $0x0  }
0x16: {  	s3 =	sld [smem:$0x3FDB];
	s0 =	simm.s32 @p2 $0x1  }
0x17: {  	s4 =	simm.s32 $0x1BF5;
	[smem:$0x3FB6] =	sst s0  }
0x18: {  	s0 =	sld [smem:$0x3F99];
	_ =	swait.ge [sflag:s4], $0x0  }
0x19: {  	s7 =	sld [smem:$0x3F9A]  }
0x1a: {  	s8 =	sadd.s32 $0xFFFFE003, lr  }
0x1b: {  	s9 =	sadd.s32 $0xFFFFFEF7, lr;
	s5 =	simm.s32 $0xFFFFFFFF;
	p2 =	slt.u32 s8, $0xFFFFF086  }
0x1c: {  	p1 =	slt.u32 s9, $0xF7A;
	s5 =	simm.s32 @!p2 $0x0  }
0x1d: {  	s5 =	simm.s32 @p1 $0x1;
	p0 =	seq.s32 s7, s2  }
0x1e: {  	s7 =	smul.u32 @!p0 $0xF7A, s2;
	p2 =	seq.s32 @!p0 s5, $0x0  }
0x1f: {  	s9 =	smul.u32 $0xF7A, s1;
	s8 =	simm.s32 @!p0 $0x1BF5;
	p2 =	por !p2, p0  }
0x20: {  	[sflag:s8] =	ssyncset.s32 @!p0 $0xFFFFF086;
	s6 =	sadd.s32 @!p0 s3, s7;
	s7 =	simm.s32 @!p0 $0x108  }
0x21: {  	s3 =	sadd.s32 s3, s9;
	s6 =	sadd.s32 @!p0 $0x88, s6;
	s7 =	simm.s32 @p2 $0x1082  }
0x22: {  	[simem:s7], [sflag:s8] =	dma.local @!p0 [hbm:s6], $0xF7A  }
0x23: {  	s9 =	sor.u32 $0xD0000000, s2;
	s6 =	simm.s32 $0x108;
	_ =	swait.ge @!p0 [sflag:s8], $0x0  }
0x24: {  	s3 =	sadd.s32 $0x88, s3;
	s6 =	simm.s32 @!p1 $0x1082;
	[sflag:s4] =	ssyncset.s32 $0xFFFFF086  }
0x25: {  	[simem:s6], [sflag:s4] =	dma.local [hbm:s3], $0xF7A  }
0x26: {  	[smem:$0x3F9A] =	sst s1;
	(tag) =	ssettag s2;
	_ =	strace s9  }
0x27: {  	s1 =	sld [smem:$0x3FAA]  }
0x28: {  	s2 =	sld [smem:$0x3FAB]  }
0x29: {  	s4 =	sld [smem:$0x3FAD]  }
0x2a: {  	p0 =	seq.s32 s5, $0x0;
	s5 =	sld [smem:$0x3FAE]  }
0x2b: {  	s6 =	sld [smem:$0x3FAF]  }
0x2c: {  	s7 =	sld [smem:$0x3FB0]  }
0x2d: {  	s3 =	simm.s32 $0x108;
	s8 =	sld [smem:$0x3FB1]  }
0x2e: {  	s3 =	simm.s32 @!p0 $0x1082;
	s9 =	sld [smem:$0x3FB2]  }
0x2f: {  	lr =	sadd.s32 s0, s3;
	s0 =	sld [smem:$0x3FA9]  }
0x30: {  	s3 =	sld [smem:$0x3FAC]  }
0x31: {  	[smem:$0x3FB5] =	sst s10  }
0x32: {  	s10 =	sld [smem:$0x3FB3];
	_ =	sdelay $0x3  }
0x33: {  	p0 =	seq.s32 s10, $0x1;
	s10 =	sld [smem:$0x3FB5];
	_ =	sdelay $0x3  }
0x34: {  	[smem:$0x3FB5] =	sst s10  }
0x35: {  	s10 =	sld [smem:$0x3FB4];
	_ =	sdelay $0x3  }
0x36: {  	p1 =	seq.s32 s10, $0x1;
	s10 =	sld [smem:$0x3FB5];
	_ =	sdelay $0x3  }
0x37: {  	[smem:$0x3FB5] =	sst s10  }
0x38: {  	s10 =	sld [smem:$0x3FB6]  }
0x39: {  	_ = 	snop;
	(pc) =	sbr.ind lr, $3  }
0x3a: {  	_ = 	snop  }
0x3b: {  	_ = 	snop  }
0x3c: {  	p2 =	seq.s32 s10, $0x1;
	s10 =	sld [smem:$0x3FB5]  }
0x3d: {  	_ =	shalt  }
0x3e: {  	_ =	shalt  }
0x3f: {  	_ =	shalt  }
0x40: {  	_ =	shalt  }
0x41: {  	_ =	shalt  }
0x42: {  	_ =	shalt  }
0x43: {  	_ =	shalt  }
0x44: {  	_ =	shalt  }
0x45: {  	_ =	shalt  }
0x46: {  	_ =	shalt  }
0x47: {  	_ =	shalt  }
0x48: {  	_ =	shalt  }
0x49: {  	_ =	shalt  }
0x4a: {  	_ =	shalt  }
0x4b: {  	_ =	shalt  }
0x4c: {  	_ =	shalt  }
0x4d: {  	_ =	shalt  }
0x4e: {  	_ =	shalt  }
0x4f: {  	_ =	shalt  }
0x50: {  	_ =	shalt  }
0x51: {  	_ =	shalt  }
0x52: {  	_ =	shalt  }
0x53: {  	_ =	shalt  }
0x54: {  	_ =	shalt  }
0x55: {  	_ =	shalt  }
0x56: {  	_ =	shalt  }
0x57: {  	_ =	shalt  }
0x58: {  	_ =	shalt  }
0x59: {  	_ =	shalt  }
0x5a: {  	_ =	shalt  }
0x5b: {  	_ =	shalt  }
0x5c: {  	_ =	shalt  }
0x5d: {  	_ =	shalt  }
0x5e: {  	_ =	shalt  }
0x5f: {  	_ =	shalt  }
0x60: {  	_ =	shalt  }
0x61: {  	_ =	shalt  }
0x62: {  	_ =	shalt  }
0x63: {  	_ =	shalt  }
0x64: {  	_ =	shalt  }
0x65: {  	_ =	shalt  }
0x66: {  	_ =	shalt  }
0x67: {  	_ =	shalt  }
0x68: {  	_ =	shalt  }
0x69: {  	_ =	shalt  }
0x6a: {  	_ =	shalt  }
0x6b: {  	_ =	shalt  }
0x6c: {  	_ =	shalt  }
0x6d: {  	_ =	shalt  }
0x6e: {  	_ =	shalt  }
0x6f: {  	_ =	shalt  }
0x70: {  	_ =	shalt  }
0x71: {  	_ =	shalt  }
0x72: {  	_ =	shalt  }
0x73: {  	_ =	shalt  }
0x74: {  	_ =	shalt  }
0x75: {  	_ =	shalt  }
0x76: {  	_ =	shalt  }
0x77: {  	_ =	shalt  }
0x78: {  	_ =	shalt  }
0x79: {  	_ =	shalt  }
0x7a: {  	_ =	shalt  }
0x7b: {  	_ =	shalt  }
0x7c: {  	_ =	shalt  }
0x7d: {  	_ =	shalt  }
0x7e: {  	_ =	shalt  }
0x7f: {  	_ =	shalt  }
0x80: {  	_ =	shalt  }
0x81: {  	_ =	shalt  }
0x82: {  	_ =	shalt  }
0x83: {  	_ =	shalt  }
0x84: {  	_ =	shalt  }
0x85: {  	_ =	shalt  }
0x86: {  	_ =	shalt  }
0x87: {  	_ =	shalt  }
.Lfunc_end0:
.L_simem_size_0:
called_computation.1_lowered:
.L_overlay_start_0:
0x88: {  	s2 =	sld [smem:$0x3FD9]  }
0x89: {  	s3 =	sld [smem:$0x3FFE];
	_ =	sdelay $0x1  }
0x8a: {  	s1 =	srdreg.scid  }
0x8b: {  	s0 =	sand.u32 $0x1, s1  }
0x8c: {  	s17 =	sshll.u32 s0, $0xA;
	s2 =	sadd.s32 s3, s2  }
0x8d: {  	s2 =	sadd.s32 s2, s17  }
0x8e: {  	[smem:$0x3FC1] =	sst s2  }
0x8f: {  	_ = 	snop  }
0x90: {  	s18 =	sld [smem:$0x3FC7];
	(tm) =	ssettm $0x1  }
0x91: {  	s19 =	sld [smem:$0x3FFB];
	_ =	sdelay $0x3  }
0x92: {  	_ =	strace s19  }
0x93: {  	s2 =	sld [smem:$0x3FFC];
	_ =	sdelay $0x3  }
0x94: {  	_ =	strace s2  }
0x95: {  	s2 =	sld [smem:$0x3FFD];
	_ =	sdelay $0x3  }
0x96: {  	_ =	strace s2  }
0x97: {  	_ =	strace $0x8FFFFFFF  }
0x98: {  	s20 =	sld [smem:$0x3FDB];
	_ =	sdelay $0x1  }
0x99: {  	s4 =	simm.s32 $_scs_section_size  }
0x9a: {  	s5 =	simm.s32 $_size__tile_overlayer_lowered;
	s6 =	simm.s32 $_tile_overlayer_lowered  }
0x9b: {  	s7 =	simm.s32 $0x1BFF;
	s21 =	sshll.u32 s6, $0x1;
	s4 =	sadd.s32 s4, s20  }
0x9c: {  	s22 =	simm.s32 $0x0;
	s5 =	sshll.u32 s5, $0x1;
	s6 =	sadd.s32 s21, s4  }
0x9d: {  	[timem:s22], [sflag:s7] =	dma.local [hbm:s6], s5  }
0x9e: {  	_ =	swait.ge [sflag:s7], s5  }
0x9f: {  	s5 =	ssub.s32 $0x0, s5;
	[sflag:s7] =	ssyncset.done $0x0  }
0xa0: {  	[sflag:s7] =	ssyncadd.s32 s5;
	_ =	sdelay $0x1  }
0xa1: {  	s23 =	simm.s32 $0x1B8B  }
0xa2: {  	_ =	swait.ge [sflag:s23], $0x1  }
0xa3: {  	[sflag:s23] =	ssyncset.done $0x0  }
0xa4: {  	[sflag:s23] =	ssyncadd.s32 $0xFFFFFFFF  }
0xa5: {  	s5 =	sld [smem:$0x0]  }
0xa6: {  	s6 =	sand.u32 $0xFFFFFFFE, s1  }
0xa7: {  	p0 =	sne.s32 s1, s6  }
0xa8: {  	s6 =	sshll.u32 @p0 s6, $0xE  }
0xa9: {  	s6 =	sadd.s32 @p0 $0x11B8D, s6;
	s7 =	sshll.u32 @p0 s5, $0x11  }
0xaa: {  	s6 =	sor.u32 @p0 s7, s6  }
0xab: {  	[sflag:s6] =	ssyncadd.remote.s32 @p0 $0x1;
	_ =	sdelay $0x1  }
0xac: {  	s6 =	simm.s32 @p0 $0x1B8D  }
0xad: {  	_ =	swait.eq @p0 [sflag:s6], $0x1  }
0xae: {  	[sflag:s6] =	ssyncadd.s32 @p0 $0xFFFFFFFF  }
0xaf: {  	s7 =	sshll.u32 @!p0 s1, $0xE  }
0xb0: {  	s7 =	sor.u32 @!p0 $0x4000, s7;
	s6 =	simm.s32 @!p0 $0x1B8D  }
0xb1: {  	s5 =	sshll.u32 @!p0 s5, $0x11;
	s7 =	sadd.s32 @!p0 $0x11B8D, s7;
	_ =	swait.eq @!p0 [sflag:s6], $0x1  }
0xb2: {  	s5 =	sor.u32 @!p0 s5, s7;
	[sflag:s6] =	ssyncadd.s32 @!p0 $0xFFFFFFFF  }
0xb3: {  	s25 =	simm.s32 $0x1B8E;
	s24 =	sld [smem:$0x3FFE];
	[sflag:s5] =	ssyncadd.remote.s32 @!p0 $0x1  }
0xb4: {  	s26 =	simm.s32 $execute0_lowered;
	[smem:$0x3FD2] =	sst s25  }
0xb5: {  	s6 =	sshll.u32 s26, $0x1;
	_ =	strace $0x80000049;
	[dreg:$0x1] =	wrdreg $0xFFFFFFFF  }
0xb6: {  	s28 =	simm.s32 $_size_execute0_lowered;
	s4 =	sadd.s32 s4, s6;
	[dreg:$0x0] =	wrdreg $0x0  }
0xb7: {  	s6 =	sshll.u32 s28, $0x1;
	[dreg:$0x2] =	wrdreg s4  }
0xb8: {  	[dreg:$0x3] =	wrdreg s6  }
0xb9: {  	[dreg:$0x4] =	wrdreg $0xC0  }
0xba: {  	_ =	task [dreg:s22], $0x5FFFF  }
0xbb: {  	[dreg:$0x1] =	wrdreg $0xFFFFFFFF  }
0xbc: {  	[dreg:$0x0] =	wrdreg $0x60  }
0xbd: {  	[dreg:$0x2] =	wrdreg s24  }
0xbe: {  	[dreg:$0x3] =	wrdreg s18  }
0xbf: {  	[dreg:$0x4] =	wrdreg $0xA  }
0xc0: {  	_ =	task.clear_ibuf [dreg:s22], $0x5FFFF;
	_ =	strace $0x90000049  }
0xc1: {  	s29 =	simm.s32 $0xA;
	_ =	strace $0x8000004B  }
0xc2: {  	_ =	swait.ge [sflag:s29], $0x1  }
0xc3: {  	[sflag:s29] =	ssyncadd.s32 $0xFFFFFFFF  }
0xc4: {  	_ =	strace $0x9000004B  }
0xc5: {  	_ =	sfence  }
0xc6: {  	s30 =	sld [smem:$0x0];
	_ =	sdelay $0x2  }
0xc7: {  	s31 =	sshll.u32 s1, $0xD;
	s1 =	sshrl.u32 s1, $0x2  }
0xc8: {  	s4 =	sand.u32 $0x4000, s31;
	s1 =	sadd.s32 s1, s30  }
0xc9: {  	s0 =	sor.u32 s4, s0;
	s1 =	sshll.u32 s1, $0x11  }
0xca: {  	s0 =	sor.u32 s1, s0  }
0xcb: {  	s0 =	sadd.s32 $0x8F2B, s0  }
0xcc: {  	[sflag:s0] =	ssyncadd.remote.s32 $0x1  }
0xcd: {  	_ =	sfence.sel $0xFFFF  }
0xce: {  	[dreg:$0x0] =	wrdreg $0xFFFFFFFF;
	(pc) =	sbr.abs _section_cstart, $3  }
0xcf: {  	[dreg:$0x1] =	wrdreg $0xFFFFFFFF  }
0xd0: {  	_ =	task.clear_ibuf [dreg:s22], $0x2FFFF;
	_ =	strace $0x9FFFFFFF  }
0xd1: {  	(tm) =	ssettm $0x7FFFFFFF  }
tec
execute0_lowered:
.L_overlay_start_1:
0x0: {  	(tag) =	ssettag $0x1  }
0x1: {  	s1 =	srdreg.scid  }
0x2: {  	s0 =	stileid.u32;
	s4 =	rddreg [dreg:$0x0];
	s3 =	simm.s32 $0x0  }
0x3: {  	s1 =	sand.u32 $0x1, s1;
	s2 =	sshll.u32 s0, $0x1;
	[smem:$0x7FF] =	sst s3  }
0x4: {  	s20 =	simm.s32 $0x80;
	s5 =	sor.u32 s1, s2;
	s2 =	rddreg [dreg:$0x1]  }
0x5: {  	s21 =	simm.s32 $0x900;
	_ =	strace $0x8000004A;
	[dreg:$0x7] =	wrdreg s20  }
0x6: {  	s22 =	simm.s32 $0x1100;
	[dreg:$0x8] =	wrdreg s21  }
0x7: {  	s23 =	simm.s32 $0x1900;
	[dreg:$0x9] =	wrdreg s22  }
0x8: {  	s24 =	simm.s32 $0x2100;
	[dreg:$0xa] =	wrdreg s23  }
0x9: {  	s25 =	simm.s32 $0x2900;
	[dreg:$0xb] =	wrdreg s24  }
0xa: {  	s26 =	simm.s32 $0x3100;
	[dreg:$0xc] =	wrdreg s25  }
0xb: {  	s7 =	sshll.u32 s0, $0x2;
	s0 =	simm.s32 $0x3900;
	[dreg:$0xd] =	wrdreg s26  }
0xc: {  	s9 =	simm.s32 $0x6100;
	[dreg:$0xe] =	wrdreg s0  }
0xd: {  	s10 =	simm.s32 $0x6900;
	[dreg:$0x13] =	wrdreg s9  }
0xe: {  	s11 =	simm.s32 $0x7100;
	[dreg:$0x14] =	wrdreg s10  }
0xf: {  	s12 =	simm.s32 $0x7900;
	[dreg:$0x15] =	wrdreg s11  }
0x10: {  	s13 =	simm.s32 $0x8100;
	[dreg:$0x16] =	wrdreg s12  }
0x11: {  	s14 =	simm.s32 $0x8900;
	[dreg:$0x17] =	wrdreg s13  }
0x12: {  	s15 =	simm.s32 $0x9100;
	s16 =	simm.s32 $0x9900;
	[dreg:$0x18] =	wrdreg s14  }
0x13: {  	s17 =	simm.s32 $0xA100;
	s18 =	simm.s32 $0xA900;
	[dreg:$0x19] =	wrdreg s15  }
0x14: {  	s28 =	simm.s32 $0x17900;
	s29 =	simm.s32 $0x1;
	[dreg:$0x1a] =	wrdreg s16  }
0x15: {  	s30 =	simm.s32 $0x2;
	s31 =	simm.s32 $0x3;
	[dreg:$0x1b] =	wrdreg s17  }
0x16: {  	s1 =	ssub.s32 $0x2, s1;
	[dreg:$0x1c] =	wrdreg s18;
	s20 =	simm.s32 $0xB100  }
0x17: {  	s21 =	simm.s32 $0xB900;
	s22 =	simm.s32 $0xC900;
	s23 =	simm.s32 $0xD100  }
0x18: {  	s24 =	simm.s32 $0xD900;
	s25 =	simm.s32 $0xE100;
	s26 =	simm.s32 $0xE900  }
0x19: {  	s9 =	simm.s32 $0xC100;
	s11 =	simm.s32 $0xF900;
	[dreg:$0x1d] =	wrdreg s20  }
0x1a: {  	s12 =	simm.s32 $0x10100;
	s13 =	simm.s32 $0x10900;
	[dreg:$0x1e] =	wrdreg s21  }
0x1b: {  	s14 =	simm.s32 $0x11100;
	s15 =	simm.s32 $0x11900;
	[dreg:$0x1f] =	wrdreg s22  }
0x1c: {  	s16 =	simm.s32 $0x12100;
	s17 =	simm.s32 $0x12900;
	[smem:$0x7FA] =	sst s23  }
0x1d: {  	s18 =	simm.s32 $0x13100;
	s19 =	smul.u32 $0x18000, s5;
	[smem:$0x7FB] =	sst s24  }
0x1e: {  	s6 =	sshll.u32 s5, $0x6;
	s5 =	smul.u32 $0x3000, s5;
	[smem:$0x7FC] =	sst s25  }
0x1f: {  	[smem:$0x7FD] =	sst s26;
	s20 =	simm.s32 $0x14100;
	s6 =	sor.u32 s7, s6  }
0x20: {  	s21 =	simm.s32 $0x14900;
	s22 =	simm.s32 $0x15100;
	s6 =	sand.u32 $0x1F0, s6  }
0x21: {  	s23 =	simm.s32 $0x15900;
	s24 =	simm.s32 $0x16100;
	s6 =	sadd.s32 s6, s4  }
0x22: {  	s25 =	simm.s32 $0x16900;
	s26 =	simm.s32 $0x17100;
	s8 =	sadd.s32 $0x1400, s6  }
0x23: {  	s4 =	sadd.s32 $0x61600, s4;
	s6 =	sadd.s32 $0x1408, s6;
	[dreg:$0x3] =	wrdreg s8  }
0x24: {  	s7 =	sshrl.u32 s19, $0x3;
	s5 =	sadd.s32 s4, s5;
	[dreg:$0x4] =	wrdreg s6  }
0x25: {  	s4 =	sadd.s32 s4, s7;
	s7 =	simm.s32 $0x5100;
	[dreg:$0x5] =	wrdreg s5  }
0x26: {  	s19 =	sshrl.u32 s1, $0x1;
	s4 =	sadd.s32 $0x1800, s4;
	[dreg:$0x11] =	wrdreg s7  }
0x27: {  	s1 =	ssub.s32 s1, s19;
	s5 =	simm.s32 $0x4100;
	[dreg:$0x6] =	wrdreg s4  }
0x28: {  	s19 =	simm.s32 $0x13900;
	s6 =	simm.s32 $0x4900;
	[dreg:$0xf] =	wrdreg s5  }
0x29: {  	v2 =	vlaneseq.u32;
	s8 =	simm.s32 $0x5900;
	s7 =	simm.s32 $0x5;
	[dreg:$0x10] =	wrdreg s6  }
0x2a: {  	vm0 =	vmmov $0xffff;
	v1 =	vshrl.u32 v2, $0x3;
	[dreg:$0x12] =	wrdreg s8;
	s4 =	sadd.s32 $0x100, s2;
	s5 =	sadd.s32 $0x200, s2  }
0x2b: {  	v0 =	vand.u32 $0x7, v2;
	v2 =	vor.u32 $0x8, v2;
	v1 =	vmul.u32 $0x8, v1;
	s6 =	smax.u32 s1, $0x1;
	s8 =	simm.s32 $0x100;
	s1 =	simm.s32 $0x4  }
.LBB2_1:
0x2c: {  	s0 =	rddreg [dreg:$0x3]  }
0x2d: {  	[tilespmem:s3], [sflag:$0x5] =	stream.linear.gather [hbm4b:s0+s3], $0x40, $0x38;
	[tilespmem:$0x18100] =	vst v63  }
0x2e: {  	_ =	swait.ge [sflag:s7], $0x40  }
0x2f: {  	s0 =	rddreg [dreg:$0x4];
	[sflag:s7] =	ssyncset.done $0x0  }
0x30: {  	s10 =	rddreg [dreg:$0x7];
	[sflag:s7] =	ssyncadd.s32 $0xFFFFFFC0  }
0x31: {  	[tilespmem:s10], [sflag:$0x5] =	stream.linear.gather [hbm4b:s0+s3], $0x40, $0x38;
	[tilespmem:$0x18100] =	vst v63  }
0x32: {  	_ =	swait.ge [sflag:s7], $0x40  }
0x33: {  	[sflag:s7] =	ssyncset.done $0x0  }
0x34: {  	[sflag:s7] =	ssyncadd.s32 $0xFFFFFFC0  }
0x35: {  	v3 =	vld [tilespmem:$0x0];
	_ =	sdelay $0x4  }
0x36: {  	v4 =	vshrl.u32 v3, $0x3  }
0x37: {  	v4 =	vmul.u32 $0x30, v4  }
0x38: {  	v3 =	vand.u32 $0x7, v3  }
0x39: {  	v3 =	vor.u32 v3, v4  }
0x3a: {  	v4 =	vperm.xlane v3, v0;
	_ =	sdelay $0x1  }
0x3b: {  	v4 =	vadd.s32 v1, v4;
	_ =	sdelay $0x3  }
0x3c: {  	v3 =	vperm.xlane v3, v2  }
0x3d: {  	[tilespmem:s8], [sflag:$0x1] =	stream.indirect_vreg.gather [hbm4b:s2+s3], $0x80, v4, vm0, $0xb8;
	[tilespmem:$0x18100] =	vst v63  }
0x3e: {  	s0 =	rddreg [dreg:$0x8];
	v3 =	vadd.s32 v1, v3  }
0x3f: {  	[tilespmem:s0], [sflag:$0x1] =	stream.indirect_vreg.gather [hbm4b:s4+s3], $0x80, v4, vm0, $0xb8;
	[tilespmem:$0x18100] =	vst v63  }
0x40: {  	s10 =	rddreg [dreg:$0x9]  }
0x41: {  	[tilespmem:s10], [sflag:$0x1] =	stream.indirect_vreg.gather [hbm4b:s5+s3], $0x80, v4, vm0, $0xb8;
	[tilespmem:$0x18100] =	vst v63  }
0x42: {  	s0 =	rddreg [dreg:$0xa]  }
0x43: {  	[tilespmem:s0], [sflag:$0x1] =	stream.indirect_vreg.gather [hbm4b:s2+s3], $0x80, v3, vm0, $0xb8;
	[tilespmem:$0x18100] =	vst v63  }
0x44: {  	s10 =	rddreg [dreg:$0xb]  }
0x45: {  	[tilespmem:s10], [sflag:$0x1] =	stream.indirect_vreg.gather [hbm4b:s4+s3], $0x80, v3, vm0, $0xb8;
	[tilespmem:$0x18100] =	vst v63  }
0x46: {  	s0 =	rddreg [dreg:$0xc]  }
0x47: {  	[tilespmem:s0], [sflag:$0x1] =	stream.indirect_vreg.gather [hbm4b:s5+s3], $0x80, v3, vm0, $0xb8;
	[tilespmem:$0x18100] =	vst v63  }
0x48: {  	v3 =	vld [tilespmem:$0x10];
	_ =	sdelay $0x4  }
0x49: {  	v57 =	vshrl.u32 v3, $0x3  }
0x4a: {  	v4 =	vmul.u32 $0x30, v57  }
0x4b: {  	v3 =	vand.u32 $0x7, v3  }
0x4c: {  	v3 =	vor.u32 v3, v4  }
0x4d: {  	v4 =	vperm.xlane v3, v0;
	_ =	sdelay $0x1  }
0x4e: {  	v4 =	vadd.s32 v1, v4;
	_ =	sdelay $0x3  }
0x4f: {  	s0 =	rddreg [dreg:$0xd];
	v3 =	vperm.xlane v3, v2  }
0x50: {  	[tilespmem:s0], [sflag:$0x1] =	stream.indirect_vreg.gather [hbm4b:s2+s3], $0x80, v4, vm0, $0xb8;
	[tilespmem:$0x18100] =	vst v63  }
0x51: {  	s10 =	rddreg [dreg:$0xe];
	v3 =	vadd.s32 v1, v3  }
0x52: {  	[tilespmem:s10], [sflag:$0x1] =	stream.indirect_vreg.gather [hbm4b:s4+s3], $0x80, v4, vm0, $0xb8;
	[tilespmem:$0x18100] =	vst v63  }
0x53: {  	s0 =	rddreg [dreg:$0xf]  }
0x54: {  	[tilespmem:s0], [sflag:$0x1] =	stream.indirect_vreg.gather [hbm4b:s5+s3], $0x80, v4, vm0, $0xb8;
	[tilespmem:$0x18100] =	vst v63  }
0x55: {  	s10 =	rddreg [dreg:$0x10]  }
0x56: {  	[tilespmem:s10], [sflag:$0x1] =	stream.indirect_vreg.gather [hbm4b:s2+s3], $0x80, v3, vm0, $0xb8;
	[tilespmem:$0x18100] =	vst v63  }
0x57: {  	s0 =	rddreg [dreg:$0x11]  }
0x58: {  	[tilespmem:s0], [sflag:$0x1] =	stream.indirect_vreg.gather [hbm4b:s4+s3], $0x80, v3, vm0, $0xb8;
	[tilespmem:$0x18100] =	vst v63  }
0x59: {  	s10 =	rddreg [dreg:$0x12]  }
0x5a: {  	[tilespmem:s10], [sflag:$0x1] =	stream.indirect_vreg.gather [hbm4b:s5+s3], $0x80, v3, vm0, $0xb8;
	[tilespmem:$0x18100] =	vst v63  }
0x5b: {  	v3 =	vld [tilespmem:$0x20];
	_ =	sdelay $0x4  }
0x5c: {  	v58 =	vshrl.u32 v3, $0x3  }
0x5d: {  	v4 =	vmul.u32 $0x30, v58  }
0x5e: {  	v3 =	vand.u32 $0x7, v3  }
0x5f: {  	v3 =	vor.u32 v3, v4  }
0x60: {  	v4 =	vperm.xlane v3, v0;
	_ =	sdelay $0x1  }
0x61: {  	v4 =	vadd.s32 v1, v4;
	_ =	sdelay $0x3  }
0x62: {  	s0 =	rddreg [dreg:$0x13];
	v3 =	vperm.xlane v3, v2  }
0x63: {  	[tilespmem:s0], [sflag:$0x1] =	stream.indirect_vreg.gather [hbm4b:s2+s3], $0x80, v4, vm0, $0xb8;
	[tilespmem:$0x18100] =	vst v63  }
0x64: {  	s10 =	rddreg [dreg:$0x14];
	v3 =	vadd.s32 v1, v3  }
0x65: {  	[tilespmem:s10], [sflag:$0x1] =	stream.indirect_vreg.gather [hbm4b:s4+s3], $0x80, v4, vm0, $0xb8;
	[tilespmem:$0x18100] =	vst v63  }
0x66: {  	s0 =	rddreg [dreg:$0x15]  }
0x67: {  	[tilespmem:s0], [sflag:$0x1] =	stream.indirect_vreg.gather [hbm4b:s5+s3], $0x80, v4, vm0, $0xb8;
	[tilespmem:$0x18100] =	vst v63  }
0x68: {  	s10 =	rddreg [dreg:$0x16]  }
0x69: {  	[tilespmem:s10], [sflag:$0x1] =	stream.indirect_vreg.gather [hbm4b:s2+s3], $0x80, v3, vm0, $0xb8;
	[tilespmem:$0x18100] =	vst v63  }
0x6a: {  	s0 =	rddreg [dreg:$0x17]  }
0x6b: {  	[tilespmem:s0], [sflag:$0x1] =	stream.indirect_vreg.gather [hbm4b:s4+s3], $0x80, v3, vm0, $0xb8;
	[tilespmem:$0x18100] =	vst v63  }
0x6c: {  	s10 =	rddreg [dreg:$0x18]  }
0x6d: {  	[tilespmem:s10], [sflag:$0x1] =	stream.indirect_vreg.gather [hbm4b:s5+s3], $0x80, v3, vm0, $0xb8;
	[tilespmem:$0x18100] =	vst v63  }
0x6e: {  	v3 =	vld [tilespmem:$0x30];
	_ =	sdelay $0x4  }
0x6f: {  	v59 =	vshrl.u32 v3, $0x3  }
0x70: {  	v4 =	vmul.u32 $0x30, v59  }
0x71: {  	v3 =	vand.u32 $0x7, v3  }
0x72: {  	v3 =	vor.u32 v3, v4  }
0x73: {  	v4 =	vperm.xlane v3, v0;
	_ =	sdelay $0x1  }
0x74: {  	v4 =	vadd.s32 v1, v4;
	_ =	sdelay $0x3  }
0x75: {  	s0 =	rddreg [dreg:$0x19];
	v3 =	vperm.xlane v3, v2  }
0x76: {  	[tilespmem:s0], [sflag:$0x1] =	stream.indirect_vreg.gather [hbm4b:s2+s3], $0x80, v4, vm0, $0xb8;
	[tilespmem:$0x18100] =	vst v63  }
0x77: {  	s10 =	rddreg [dreg:$0x1a];
	v3 =	vadd.s32 v1, v3  }
0x78: {  	[tilespmem:s10], [sflag:$0x1] =	stream.indirect_vreg.gather [hbm4b:s4+s3], $0x80, v4, vm0, $0xb8;
	[tilespmem:$0x18100] =	vst v63  }
0x79: {  	s0 =	rddreg [dreg:$0x1b]  }
0x7a: {  	[tilespmem:s0], [sflag:$0x1] =	stream.indirect_vreg.gather [hbm4b:s5+s3], $0x80, v4, vm0, $0xb8;
	[tilespmem:$0x18100] =	vst v63  }
0x7b: {  	s10 =	rddreg [dreg:$0x1c]  }
0x7c: {  	[tilespmem:s10], [sflag:$0x1] =	stream.indirect_vreg.gather [hbm4b:s2+s3], $0x80, v3, vm0, $0xb8;
	[tilespmem:$0x18100] =	vst v63  }
0x7d: {  	s0 =	rddreg [dreg:$0x1d]  }
0x7e: {  	[tilespmem:s0], [sflag:$0x1] =	stream.indirect_vreg.gather [hbm4b:s4+s3], $0x80, v3, vm0, $0xb8;
	[tilespmem:$0x18100] =	vst v63  }
0x7f: {  	s10 =	rddreg [dreg:$0x1e]  }
0x80: {  	[tilespmem:s10], [sflag:$0x1] =	stream.indirect_vreg.gather [hbm4b:s5+s3], $0x80, v3, vm0, $0xb8;
	[tilespmem:$0x18100] =	vst v63  }
0x81: {  	v3 =	vld [tilespmem:$0x80];
	_ =	sdelay $0x4  }
0x82: {  	v60 =	vshrl.u32 v3, $0x3  }
0x83: {  	v4 =	vmul.u32 $0x30, v60  }
0x84: {  	v3 =	vand.u32 $0x7, v3  }
0x85: {  	v3 =	vor.u32 v3, v4  }
0x86: {  	v4 =	vperm.xlane v3, v0;
	_ =	sdelay $0x1  }
0x87: {  	v4 =	vadd.s32 v1, v4;
	_ =	sdelay $0x3  }
0x88: {  	s0 =	rddreg [dreg:$0x1f];
	v3 =	vperm.xlane v3, v2  }
0x89: {  	[tilespmem:s9], [sflag:$0x2] =	stream.indirect_vreg.gather [hbm4b:s2+s3], $0x80, v4, vm0, $0xb8;
	[tilespmem:$0x18100] =	vst v63  }
0x8a: {  	s10 =	sld [smem:$0x7FA];
	v3 =	vadd.s32 v1, v3  }
0x8b: {  	[tilespmem:s0], [sflag:$0x2] =	stream.indirect_vreg.gather [hbm4b:s4+s3], $0x80, v4, vm0, $0xb8;
	[tilespmem:$0x18100] =	vst v63  }
0x8c: {  	s0 =	sld [smem:$0x7FB]  }
0x8d: {  	[tilespmem:s10], [sflag:$0x2] =	stream.indirect_vreg.gather [hbm4b:s5+s3], $0x80, v4, vm0, $0xb8;
	[tilespmem:$0x18100] =	vst v63  }
0x8e: {  	s10 =	sld [smem:$0x7FC]  }
0x8f: {  	[tilespmem:s0], [sflag:$0x2] =	stream.indirect_vreg.gather [hbm4b:s2+s3], $0x80, v3, vm0, $0xb8;
	[tilespmem:$0x18100] =	vst v63  }
0x90: {  	s0 =	sld [smem:$0x7FD]  }
0x91: {  	[tilespmem:s10], [sflag:$0x2] =	stream.indirect_vreg.gather [hbm4b:s4+s3], $0x80, v3, vm0, $0xb8;
	[tilespmem:$0x18100] =	vst v63  }
0x92: {  	_ = 	snop  }
0x93: {  	[tilespmem:s0], [sflag:$0x2] =	stream.indirect_vreg.gather [hbm4b:s5+s3], $0x80, v3, vm0, $0xb8;
	[tilespmem:$0x18100] =	vst v63  }
0x94: {  	v3 =	vld [tilespmem:$0x90];
	_ =	sdelay $0x4  }
0x95: {  	v61 =	vshrl.u32 v3, $0x3  }
0x96: {  	v4 =	vmul.u32 $0x30, v61  }
0x97: {  	v3 =	vand.u32 $0x7, v3  }
0x98: {  	v3 =	vor.u32 v3, v4  }
0x99: {  	v4 =	vperm.xlane v3, v0;
	_ =	sdelay $0x1  }
0x9a: {  	v4 =	vadd.s32 v1, v4;
	_ =	sdelay $0x3  }
0x9b: {  	s10 =	simm.s32 $0xF100;
	v3 =	vperm.xlane v3, v2  }
0x9c: {  	[tilespmem:s10], [sflag:$0x2] =	stream.indirect_vreg.gather [hbm4b:s2+s3], $0x80, v4, vm0, $0xb8;
	[tilespmem:$0x18100] =	vst v63  }
0x9d: {  	v3 =	vadd.s32 v1, v3  }
0x9e: {  	[tilespmem:s11], [sflag:$0x2] =	stream.indirect_vreg.gather [hbm4b:s4+s3], $0x80, v4, vm0, $0xb8;
	[tilespmem:$0x18100] =	vst v63  }
0x9f: {  	_ = 	snop  }
0xa0: {  	[tilespmem:s12], [sflag:$0x2] =	stream.indirect_vreg.gather [hbm4b:s5+s3], $0x80, v4, vm0, $0xb8;
	[tilespmem:$0x18100] =	vst v63  }
0xa1: {  	_ = 	snop  }
0xa2: {  	[tilespmem:s13], [sflag:$0x2] =	stream.indirect_vreg.gather [hbm4b:s2+s3], $0x80, v3, vm0, $0xb8;
	[tilespmem:$0x18100] =	vst v63  }
0xa3: {  	_ = 	snop  }
0xa4: {  	[tilespmem:s14], [sflag:$0x2] =	stream.indirect_vreg.gather [hbm4b:s4+s3], $0x80, v3, vm0, $0xb8;
	[tilespmem:$0x18100] =	vst v63  }
0xa5: {  	_ = 	snop  }
0xa6: {  	[tilespmem:s15], [sflag:$0x2] =	stream.indirect_vreg.gather [hbm4b:s5+s3], $0x80, v3, vm0, $0xb8;
	[tilespmem:$0x18100] =	vst v63  }
0xa7: {  	v3 =	vld [tilespmem:$0xA0];
	_ =	sdelay $0x4  }
0xa8: {  	v62 =	vshrl.u32 v3, $0x3  }
0xa9: {  	v4 =	vmul.u32 $0x30, v62  }
0xaa: {  	v3 =	vand.u32 $0x7, v3  }
0xab: {  	v3 =	vor.u32 v3, v4  }
0xac: {  	v4 =	vperm.xlane v3, v0;
	_ =	sdelay $0x1  }
0xad: {  	v4 =	vadd.s32 v1, v4;
	_ =	sdelay $0x3  }
0xae: {  	v3 =	vperm.xlane v3, v2  }
0xaf: {  	[tilespmem:s16], [sflag:$0x2] =	stream.indirect_vreg.gather [hbm4b:s2+s3], $0x80, v4, vm0, $0xb8;
	[tilespmem:$0x18100] =	vst v63  }
0xb0: {  	v3 =	vadd.s32 v1, v3  }
0xb1: {  	[tilespmem:s17], [sflag:$0x2] =	stream.indirect_vreg.gather [hbm4b:s4+s3], $0x80, v4, vm0, $0xb8;
	[tilespmem:$0x18100] =	vst v63  }
0xb2: {  	_ = 	snop  }
0xb3: {  	[tilespmem:s18], [sflag:$0x2] =	stream.indirect_vreg.gather [hbm4b:s5+s3], $0x80, v4, vm0, $0xb8;
	[tilespmem:$0x18100] =	vst v63  }
0xb4: {  	_ = 	snop  }
0xb5: {  	[tilespmem:s19], [sflag:$0x2] =	stream.indirect_vreg.gather [hbm4b:s2+s3], $0x80, v3, vm0, $0xb8;
	[tilespmem:$0x18100] =	vst v63  }
0xb6: {  	_ = 	snop  }
0xb7: {  	[tilespmem:s20], [sflag:$0x2] =	stream.indirect_vreg.gather [hbm4b:s4+s3], $0x80, v3, vm0, $0xb8;
	[tilespmem:$0x18100] =	vst v63  }
0xb8: {  	_ = 	snop  }
0xb9: {  	[tilespmem:s21], [sflag:$0x2] =	stream.indirect_vreg.gather [hbm4b:s5+s3], $0x80, v3, vm0, $0xb8;
	[tilespmem:$0x18100] =	vst v63  }
0xba: {  	v3 =	vld [tilespmem:$0xB0];
	_ =	sdelay $0x4  }
0xbb: {  	v63 =	vshrl.u32 v3, $0x3  }
0xbc: {  	v4 =	vmul.u32 $0x30, v63  }
0xbd: {  	v3 =	vand.u32 $0x7, v3  }
0xbe: {  	v3 =	vor.u32 v3, v4  }
0xbf: {  	v4 =	vperm.xlane v3, v0;
	_ =	sdelay $0x1  }
0xc0: {  	v4 =	vadd.s32 v1, v4;
	_ =	sdelay $0x3  }
0xc1: {  	v3 =	vperm.xlane v3, v2  }
0xc2: {  	[tilespmem:s22], [sflag:$0x2] =	stream.indirect_vreg.gather [hbm4b:s2+s3], $0x80, v4, vm0, $0xb8;
	[tilespmem:$0x18100] =	vst v63  }
0xc3: {  	v3 =	vadd.s32 v1, v3  }
0xc4: {  	[tilespmem:s23], [sflag:$0x2] =	stream.indirect_vreg.gather [hbm4b:s4+s3], $0x80, v4, vm0, $0xb8;
	[tilespmem:$0x18100] =	vst v63  }
0xc5: {  	_ = 	snop  }
0xc6: {  	[tilespmem:s24], [sflag:$0x2] =	stream.indirect_vreg.gather [hbm4b:s5+s3], $0x80, v4, vm0, $0xb8;
	[tilespmem:$0x18100] =	vst v63  }
0xc7: {  	_ = 	snop  }
0xc8: {  	[tilespmem:s25], [sflag:$0x2] =	stream.indirect_vreg.gather [hbm4b:s2+s3], $0x80, v3, vm0, $0xb8;
	[tilespmem:$0x18100] =	vst v63  }
0xc9: {  	_ = 	snop  }
0xca: {  	[tilespmem:s26], [sflag:$0x2] =	stream.indirect_vreg.gather [hbm4b:s4+s3], $0x80, v3, vm0, $0xb8;
	[tilespmem:$0x18100] =	vst v63  }
0xcb: {  	_ = 	snop  }
0xcc: {  	[tilespmem:s28], [sflag:$0x2] =	stream.indirect_vreg.gather [hbm4b:s5+s3], $0x80, v3, vm0, $0xb8;
	[tilespmem:$0x18100] =	vst v63  }
0xcd: {  	_ =	swait.ge [sflag:s29], $0xC000  }
0xce: {  	[sflag:s29] =	ssyncset.done $0x0  }
0xcf: {  	s10 =	rddreg [dreg:$0x5];
	[sflag:s29] =	ssyncadd.s32 $0xFFFF4000  }
0xd0: {  	[hbm4b:s10+s3] =	stream.linear.scatter [tilespmem:s8], [sflag:$0x3], $0xC000, $0x38;
	[tilespmem:$0x18100] =	vst v63  }
0xd1: {  	_ =	swait.ge [sflag:s30], $0xC000  }
0xd2: {  	[sflag:s30] =	ssyncset.done $0x0  }
0xd3: {  	s10 =	rddreg [dreg:$0x6];
	[sflag:s30] =	ssyncadd.s32 $0xFFFF4000  }
0xd4: {  	[hbm4b:s10+s3] =	stream.linear.scatter [tilespmem:s9], [sflag:$0x4], $0xC000, $0x38;
	[tilespmem:$0x18100] =	vst v63  }
0xd5: {  	p0 =	sne.s32 s6, $0x1;
	_ =	swait.ge [sflag:s31], $0xC000  }
.Ltmp0:
0xd6: {  	[sflag:s31] =	ssyncset.done $0x0;
	(pc) =	sbr.rel @p0 .LBB2_1-.Ltmp0, $4  }
0xd7: {  	[sflag:s31] =	ssyncadd.s32 $0xFFFF4000  }
0xd8: {  	_ =	swait.ge [sflag:s1], $0xC000  }
0xd9: {  	[sflag:s1] =	ssyncset.done $0x0  }
0xda: {  	s6 =	sadd.s32 $0xFFFFFFFF, s6;
	[sflag:s1] =	ssyncadd.s32 $0xFFFF4000  }
0xdb: {  	_ =	sfence.sel $0x180000  }
0xdc: {  	[bflag:$0x0] =	sbarrier.arrive $0xFFFF  }
0xdd: {  	_ =	strace $0x9000004A  }
0xde: {  	s0 =	stileid.u32;
	[bflag:$0x2] =	sbarrier.arrive $0xFFFF  }
0xdf: {  	p0 =	sne.s32 s0, $0x0;
	s0 =	rddreg [dreg:$0x2]  }
0xe0: {  	s0 =	sadd.s32 @!p0 $0x100000, s0  }
0xe1: {  	[sflag:s0] =	ssyncadd.tile.s32 @!p0 $0x1;
	_ =	shalt  }
.Lfunc_end2:
_tile_overlayer_lowered:
.L_overlay_start_2:
0xe2: {  	(tag) =	ssettag $0x2  }
0xe3: {  	s0 =	rddreg [dreg:$0x0];
	s2 =	stileid.u32  }
0xe4: {  	s1 =	rddreg [dreg:$0x1];
	p0 =	sne.s32 s2, $0x0  }
0xe5: {  	s3 =	rddreg [dreg:$0x2];
	[bflag:$0x3] =	sbarrier.arrive $0xFFFF;
	s2 =	simm.s32 @!p0 $0x1C05  }
0xe6: {  	[timem:s3], [sflag:s2] =	dma.local @!p0 [hbm:s0], s1  }
0xe7: {  	s0 =	simm.s32 @!p0 $0x5  }
0xe8: {  	_ =	swait.ge @!p0 [sflag:s0], s1  }
0xe9: {  	s1 =	ssub.s32 @!p0 $0x0, s1;
	[sflag:s0] =	ssyncset.done @!p0 $0x0  }
0xea: {  	[sflag:s0] =	ssyncadd.s32 @!p0 s1  }
0xeb: {  	[bflag:$0x3] =	sbarrier.arrive $0xFFFF  }
0xec: {  	_ =	shalt  }

</sc_bundles>
